<compile_context>
chip_gen: v7x
topology: tpu7x:2x2x1
jax: 0.10.2.dev20260603
libtpu: 0.0.44.dev20260713+nightly
codegen_flags: <defaults>
</compile_context>

<pallas_src>
import jax
import jax.numpy as jnp
from jax import lax
from jax.experimental import pallas as pl
from jax.experimental.pallas import tpu as pltpu
from jax.experimental.pallas import tpu_sc as plsc

NUM_CODES = 1024
EMB_DIM = 256
NUM_HEADS = 4
HEAD_DIM = EMB_DIM // NUM_HEADS
COMMITMENT_COST = 0.1

BATCH = 65536
ROWS_PER_BLOCK = 1024
HEADS_PAD = 8

SC_CORES = 2
SC_SUBCORES = 16
SC_WORKERS = SC_CORES * SC_SUBCORES
SC_TOKEN_BLOCKS = SC_WORKERS // NUM_HEADS
TOK_PER_TILE = BATCH // SC_TOKEN_BLOCKS
SC_CHUNK = 512
SC_NCHUNK = TOK_PER_TILE // SC_CHUNK
HIST_W = 16
NUM_GIDS = NUM_HEADS * NUM_CODES


def _tc_body(z_ref, znT_ref, w2_ref, wnT_ref,
             idxT_ref, gidxT_ref, loss_ref, loss_acc):
    step = pl.program_id(0)
    nsteps = pl.num_programs(0)

    @pl.when(step == 0)
    def _init():
        loss_acc[0] = jnp.float32(0.0)

    total = jnp.float32(0.0)
    iota_f = lax.broadcasted_iota(
        jnp.int32, (NUM_CODES, ROWS_PER_BLOCK), 0).astype(jnp.float32)
    for h in range(NUM_HEADS):
        zh = z_ref[:, h * HEAD_DIM:(h + 1) * HEAD_DIM]
        w2 = w2_ref[h]
        mm2 = lax.dot_general(w2, zh, (((1,), (1,)), ((), ())),
                              preferred_element_type=jnp.float32)
        zn = znT_ref[h:h + 1, :]
        wn = wnT_ref[:, h:h + 1]
        sq = (zn + wn) + mm2
        x = jnp.maximum(sq, 0.0)
        dist = jnp.sqrt(x)
        m = jnp.min(dist, axis=0)
        idxf = jnp.min(jnp.where(dist == m[None, :], iota_f,
                                 jnp.float32(NUM_CODES)), axis=0)
        idxi = idxf.astype(jnp.int32)
        idxT_ref[h, :] = idxi
        gidxT_ref[h, :] = idxi + jnp.int32(h * NUM_CODES)
        total = total + jnp.sum(m * m)

    zero_row = jnp.zeros((ROWS_PER_BLOCK,), jnp.int32)
    for h in range(NUM_HEADS, HEADS_PAD):
        idxT_ref[h, :] = zero_row
        gidxT_ref[h, :] = zero_row
    loss_acc[0] = loss_acc[0] + total

    @pl.when(step == nsteps - 1)
    def _fin():
        loss_ref[0] = loss_acc[0] * jnp.float32(1.0 / (BATCH * EMB_DIM))


def _tc_stage(z_e, znT, w2m, wnT):
    nblocks = BATCH // ROWS_PER_BLOCK
    return pl.pallas_call(
        _tc_body,
        grid=(nblocks,),
        in_specs=[
            pl.BlockSpec((ROWS_PER_BLOCK, EMB_DIM), lambda i: (i, 0)),
            pl.BlockSpec((HEADS_PAD, ROWS_PER_BLOCK), lambda i: (0, i)),
            pl.BlockSpec((NUM_HEADS, NUM_CODES, HEAD_DIM),
                         lambda i: (0, 0, 0)),
            pl.BlockSpec((NUM_CODES, NUM_HEADS), lambda i: (0, 0)),
        ],
        out_specs=[
            pl.BlockSpec((HEADS_PAD, ROWS_PER_BLOCK), lambda i: (0, i)),
            pl.BlockSpec((HEADS_PAD, ROWS_PER_BLOCK), lambda i: (0, i)),
            pl.BlockSpec(memory_space=pltpu.SMEM),
        ],
        out_shape=[
            jax.ShapeDtypeStruct((HEADS_PAD, BATCH), jnp.int32),
            jax.ShapeDtypeStruct((HEADS_PAD, BATCH), jnp.int32),
            jax.ShapeDtypeStruct((1,), jnp.float32),
        ],
        scratch_shapes=[
            pltpu.SMEM((1,), jnp.float32),
        ],
        compiler_params=pltpu.CompilerParams(
            dimension_semantics=("arbitrary",),
        ),
    )(z_e, znT, w2m, wnT)


def _sc_body(wflat_hbm, gidxT_hbm, zeros_hbm, ones_hbm,
             out_hbm, hist_hbm,
             idx_v0, idx_v1, rows_v0, rows_v1, ones_v, hist_sh,
             sem0, sem1):
    cid = lax.axis_index("c")
    sid = lax.axis_index("s")
    wid = sid * SC_CORES + cid
    head = wid % NUM_HEADS
    tok0 = (wid // NUM_HEADS) * TOK_PER_TILE

    idxs = [idx_v0, idx_v1]
    rows = [rows_v0, rows_v1]
    sems = [sem0, sem1]

    pltpu.sync_copy(ones_hbm, ones_v)

    @pl.when(sid == 0)
    def _init_hist():
        pltpu.sync_copy(zeros_hbm, hist_sh)

    plsc.subcore_barrier()

    pltpu.sync_copy(gidxT_hbm.at[head, pl.ds(tok0, SC_CHUNK)], idxs[0])
    copies = [None] * SC_NCHUNK
    copies[0] = pltpu.async_copy(wflat_hbm.at[idxs[0]], rows[0], sems[0])
    for i in range(SC_NCHUNK):
        cur = i % 2
        if i + 1 < SC_NCHUNK:
            nxt = (i + 1) % 2
            pltpu.sync_copy(
                gidxT_hbm.at[head,
                             pl.ds(tok0 + (i + 1) * SC_CHUNK, SC_CHUNK)],
                idxs[nxt])
            copies[i + 1] = pltpu.async_copy(
                wflat_hbm.at[idxs[nxt]], rows[nxt], sems[nxt])
        copies[i].wait()
        pltpu.sync_copy(
            rows[cur],
            out_hbm.at[pl.ds(tok0 + i * SC_CHUNK, SC_CHUNK),
                       pl.ds(head * HEAD_DIM, HEAD_DIM)])
        pltpu.sync_copy(ones_v, hist_sh.at[idxs[cur]], add=True)

    plsc.subcore_barrier()

    @pl.when(sid == 0)
    def _emit_hist():
        pltpu.sync_copy(hist_sh, hist_hbm.at[cid])


def _sc_stage(wflat, gidxT, zeros_h, ones_h):
    run = pl.kernel(
        _sc_body,
        out_type=[
            jax.ShapeDtypeStruct((BATCH, EMB_DIM), jnp.float32),
            jax.ShapeDtypeStruct((SC_CORES, NUM_GIDS, HIST_W), jnp.float32),
        ],
        mesh=plsc.VectorSubcoreMesh(core_axis_name="c", subcore_axis_name="s"),
        scratch_types=[
            pltpu.VMEM((SC_CHUNK,), jnp.int32),
            pltpu.VMEM((SC_CHUNK,), jnp.int32),
            pltpu.VMEM((SC_CHUNK, HEAD_DIM), jnp.float32),
            pltpu.VMEM((SC_CHUNK, HEAD_DIM), jnp.float32),
            pltpu.VMEM((SC_CHUNK, HIST_W), jnp.float32),
            pltpu.VMEM_SHARED((NUM_GIDS, HIST_W), jnp.float32),
            pltpu.SemaphoreType.DMA,
            pltpu.SemaphoreType.DMA,
        ],
        compiler_params=pltpu.CompilerParams(use_tc_tiling_on_sc=False),
    )
    return run(wflat, gidxT, zeros_h, ones_h)


def _perp_body(hist_ref, perp_ref):
    h = hist_ref[...]
    c = h[0] + h[1]
    s = jnp.sum(c, axis=2)
    avg = s * jnp.float32(1.0 / (HIST_W * BATCH))
    ent = -jnp.sum(avg * jnp.log(avg + 1e-10), axis=1)
    perp_ref[0] = jnp.mean(jnp.exp(ent))


def _perp_stage(hist4):
    return pl.pallas_call(
        _perp_body,
        grid=(1,),
        in_specs=[
            pl.BlockSpec((SC_CORES, NUM_HEADS, NUM_CODES, HIST_W),
                         lambda i: (0, 0, 0, 0)),
        ],
        out_specs=pl.BlockSpec(memory_space=pltpu.SMEM),
        out_shape=jax.ShapeDtypeStruct((1,), jnp.float32),
    )(hist4)


def kernel(z_e, emb_weights):
    zn_rows = [
        jnp.sum(z_e[:, h * HEAD_DIM:(h + 1) * HEAD_DIM]
                * z_e[:, h * HEAD_DIM:(h + 1) * HEAD_DIM], axis=1)
        for h in range(NUM_HEADS)
    ]
    znT = jnp.pad(jnp.stack(zn_rows, axis=0),
                  ((0, HEADS_PAD - NUM_HEADS), (0, 0)))
    w2m = emb_weights * jnp.float32(-2.0)
    wn = jnp.sum(emb_weights * emb_weights, axis=2)
    wnT = wn.T

    idxT, gidxT, loss1 = _tc_stage(z_e, znT, w2m, wnT)

    wflat = emb_weights.reshape(NUM_GIDS, HEAD_DIM)
    zeros_h = jnp.zeros((NUM_GIDS, HIST_W), jnp.float32)
    ones_h = jnp.ones((SC_CHUNK, HIST_W), jnp.float32)
    z_q, hist = _sc_stage(wflat, gidxT, zeros_h, ones_h)

    perplexity = _perp_stage(
        hist.reshape(SC_CORES, NUM_HEADS, NUM_CODES, HIST_W))[0]

    idx = idxT[:NUM_HEADS].T
    codebook_loss = loss1[0]
    commitment_loss = jnp.float32(COMMITMENT_COST) * codebook_loss
    return (z_q, idx, codebook_loss, commitment_loss, perplexity)

# --- scband reference (transcript-rebuilt; emitter-appended) ---
"""Pipeline reference for scband-product-vector-quantizer-15710990369637 (READ-ONLY COPY).

The authoritative reference and input builder live on the scoring server;
editing this copy changes nothing except your own understanding.
"""

import jax, jax.numpy as jnp
import numpy as np

NUM_CODES = 1024
EMB_DIM = 256
NUM_HEADS = 4
HEAD_DIM = EMB_DIM // NUM_HEADS
COMMITMENT_COST = 0.1


def setup_inputs(seed: int = 0) -> dict:
    key = jax.random.key(seed)
    k1, k2 = jax.random.split(key)
    z_e = jax.random.normal(k1, (65536, EMB_DIM), dtype=jnp.float32)
    # One table per head, matching nn.Embedding(num_codes, head_dim) with uniform(-1/K, 1/K) init
    emb_weights = jax.random.uniform(
        k2, (NUM_HEADS, NUM_CODES, HEAD_DIM),
        minval=-1.0 / NUM_CODES, maxval=1.0 / NUM_CODES, dtype=jnp.float32
    )
    return {"z_e": z_e, "emb_weights": emb_weights}


def _cdist(zh, W):
    # Euclidean distance matrix [B, K] computed via the expanded quadratic form
    # (mathematically identical to torch.cdist with p=2)
    sq = (
        jnp.sum(zh * zh, axis=1)[:, None]
        + jnp.sum(W * W, axis=1)[None, :]
        - 2.0 * (zh @ W.T)
    )
    return jnp.sqrt(jnp.maximum(sq, 0.0))


def reference(z_e, emb_weights):
    batch_size = z_e.shape[0]
    z_splits = z_e.reshape(batch_size, NUM_HEADS, HEAD_DIM)

    z_q_list = []
    indices_list = []
    for i in range(NUM_HEADS):
        z_head = z_splits[:, i, :]
        W = emb_weights[i]
        distances = _cdist(z_head, W)
        idx = jnp.argmin(distances, axis=-1)
        z_q_head = jnp.take(W, idx, axis=0)  # embedding lookup
        z_q_list.append(z_q_head)
        indices_list.append(idx)

    z_q = jnp.concatenate(z_q_list, axis=-1)
    indices = jnp.stack(indices_list, axis=-1)

    codebook_loss = jnp.mean((jax.lax.stop_gradient(z_q) - z_e) ** 2)
    commitment_loss = COMMITMENT_COST * jnp.mean((z_q - jax.lax.stop_gradient(z_e)) ** 2)

    # straight-through estimator
    z_q_st = z_e + jax.lax.stop_gradient(z_q - z_e)

    perplexities = []
    for i in range(NUM_HEADS):
        encodings = jax.nn.one_hot(indices_list[i], NUM_CODES, dtype=jnp.float32)
        avg_probs = jnp.mean(encodings, axis=0)
        perp = jnp.exp(-jnp.sum(avg_probs * jnp.log(avg_probs + 1e-10)))
        perplexities.append(perp)
    perplexity = jnp.mean(jnp.stack(perplexities))

    return (z_q_st, indices, codebook_loss, commitment_loss, perplexity)

if __name__ == "__main__":
    import jax
    _d = setup_inputs()
    print(jax.jit(kernel)(*tuple(_d.values())))

</pallas_src>

<mosaic_0001>
#map = affine_map<(d0, d1) -> (0, 0)>
#map1 = affine_map<(d0, d1) -> (0, 0, 0)>
module attributes {stable_mosaic.version = 14 : i64} {
  func.func @_sc_body(%arg0: i32, %arg1: i32, %arg2: memref<4096x64xf32, #tpu.memory_space<hbm>>, %arg3: memref<8x65536xi32, #tpu.memory_space<hbm>>, %arg4: memref<4096x16xf32, #tpu.memory_space<hbm>>, %arg5: memref<512x16xf32, #tpu.memory_space<hbm>>, %arg6: memref<65536x256xf32, #tpu.memory_space<hbm>>, %arg7: memref<2x4096x16xf32, #tpu.memory_space<hbm>>, %arg8: memref<512xi32, #tpu.memory_space<vmem>>, %arg9: memref<512xi32, #tpu.memory_space<vmem>>, %arg10: memref<512x64xf32, #tpu.memory_space<vmem>>, %arg11: memref<512x64xf32, #tpu.memory_space<vmem>>, %arg12: memref<512x16xf32, #tpu.memory_space<vmem>>, %arg13: memref<4096x16xf32, #tpu.memory_space<vmem_shared>>, %arg14: memref<!tpu.dma_semaphore, #tpu.memory_space<semaphore_mem>>, %arg15: memref<!tpu.dma_semaphore, #tpu.memory_space<semaphore_mem>>) attributes {dimension_semantics = [#tpu.dimension_semantics<core_parallel>, #tpu.dimension_semantics<subcore_parallel>], iteration_bounds = array<i64: 2, 16>, scalar_prefetch = 0 : i64, scratch_operands = 8 : i64, tpu.core_type = #tpu.core_type<sc_vector_subcore>, window_params = [{transform_indices = #map}, {transform_indices = #map}, {transform_indices = #map}, {transform_indices = #map}, {transform_indices = #map}, {transform_indices = #map1}]} {
    %mul3A = arith.constant 2 : i32
    %mul3A_0 = arith.muli %arg1, %mul3A : i32
    %add3A = arith.addi %mul3A_0, %arg0 : i32
    %jit3A = arith.constant 4 : i32
    %eq3A = arith.constant 0 : i32
    %eq3A_1 = arith.cmpi eq, %jit3A, %eq3A : i32
    %jit3A_2 = arith.constant 1 : i32
    %select_n3A = arith.select %eq3A_1, %jit3A_2, %jit3A : i32
    %rem3A = arith.remsi %add3A, %select_n3A : i32
    %ne3A = arith.constant 0 : i32
    %ne3A_3 = arith.cmpi ne, %rem3A, %ne3A : i32
    %lt3A = arith.constant 0 : i32
    %lt3A_4 = arith.cmpi slt, %rem3A, %lt3A : i32
    %lt3A_5 = arith.constant 0 : i32
    %lt3A_6 = arith.cmpi slt, %select_n3A, %lt3A_5 : i32
    %ne3A_7 = arith.xori %lt3A_4, %lt3A_6 : i1
    %and3A = arith.andi %ne3A_7, %ne3A_3 : i1
    %add3A_8 = arith.addi %rem3A, %select_n3A : i32
    %select_n3A_9 = arith.select %and3A, %add3A_8, %rem3A : i32
    %jit3A_10 = arith.constant 4 : i32
    %div3A = arith.divsi %add3A, %jit3A_10 : i32
    %sign3A = arith.constant 0 : i32
    %sign3A_11 = arith.cmpi sgt, %add3A, %sign3A : i32
    %sign3A_12 = arith.extui %sign3A_11 : i1 to i32
    %sign3A_13 = arith.constant 0 : i32
    %sign3A_14 = arith.cmpi slt, %add3A, %sign3A_13 : i32
    %sign3A_15 = arith.extui %sign3A_14 : i1 to i32
    %sign3A_16 = arith.subi %sign3A_12, %sign3A_15 : i32
    %sign3A_17 = arith.constant 0 : i32
    %sign3A_18 = arith.cmpi sgt, %jit3A_10, %sign3A_17 : i32
    %sign3A_19 = arith.extui %sign3A_18 : i1 to i32
    %sign3A_20 = arith.constant 0 : i32
    %sign3A_21 = arith.cmpi slt, %jit3A_10, %sign3A_20 : i32
    %sign3A_22 = arith.extui %sign3A_21 : i1 to i32
    %sign3A_23 = arith.subi %sign3A_19, %sign3A_22 : i32
    %ne3A_24 = arith.cmpi ne, %sign3A_16, %sign3A_23 : i32
    %rem3A_25 = arith.remsi %add3A, %jit3A_10 : i32
    %ne3A_26 = arith.constant 0 : i32
    %ne3A_27 = arith.cmpi ne, %rem3A_25, %ne3A_26 : i32
    %and3A_28 = arith.andi %ne3A_24, %ne3A_27 : i1
    %sub3A = arith.constant 1 : i32
    %sub3A_29 = arith.subi %div3A, %sub3A : i32
    %select_n3A_30 = arith.select %and3A_28, %sub3A_29, %div3A : i32
    %mul3A_31 = arith.constant 8192 : i32
    %mul3A_32 = arith.muli %select_n3A_30, %mul3A_31 : i32
    "tpu.region"() ({
      %run_scoped3A = tpu.sem_alloc : memref<!tpu.dma_semaphore, #tpu.memory_space<semaphore_mem>>
      tpu.enqueue_dma source(%arg5 : memref<512x16xf32, #tpu.memory_space<hbm>>) target(%arg12 : memref<512x16xf32, #tpu.memory_space<vmem>>) target_semaphore(%run_scoped3A : memref<!tpu.dma_semaphore, #tpu.memory_space<semaphore_mem>>)
      tpu.wait_dma2 semaphore(%run_scoped3A : memref<!tpu.dma_semaphore, #tpu.memory_space<semaphore_mem>>) src(%arg5 : memref<512x16xf32, #tpu.memory_space<hbm>>) dst(%arg12 : memref<512x16xf32, #tpu.memory_space<vmem>>)
      tpu.yield
    }) : () -> ()
    %eq3A_33 = arith.constant 0 : i32
    %eq3A_34 = arith.cmpi eq, %arg1, %eq3A_33 : i32
    %convert_element_type3A = arith.extui %eq3A_34 : i1 to i32
    %cond3A = arith.constant 0 : i32
    %cond3A_35 = arith.cmpi ne, %convert_element_type3A, %cond3A : i32
    scf.if %cond3A_35 {
      "tpu.region"() ({
        %run_scoped3A = tpu.sem_alloc : memref<!tpu.dma_semaphore, #tpu.memory_space<semaphore_mem>>
        tpu.enqueue_dma source(%arg4 : memref<4096x16xf32, #tpu.memory_space<hbm>>) target(%arg13 : memref<4096x16xf32, #tpu.memory_space<vmem_shared>>) target_semaphore(%run_scoped3A : memref<!tpu.dma_semaphore, #tpu.memory_space<semaphore_mem>>)
        tpu.wait_dma2 semaphore(%run_scoped3A : memref<!tpu.dma_semaphore, #tpu.memory_space<semaphore_mem>>) src(%arg4 : memref<4096x16xf32, #tpu.memory_space<hbm>>) dst(%arg13 : memref<4096x16xf32, #tpu.memory_space<vmem_shared>>)
        tpu.yield
      }) : () -> ()
    } else {
    }
    %barrier3A = arith.constant 0 : index
    tpu.barrier barrier_id(%barrier3A)
    "tpu.region"() ({
      %run_scoped3A = tpu.sem_alloc : memref<!tpu.dma_semaphore, #tpu.memory_space<semaphore_mem>>
      %dma_start3A_230 = tpu.memref_slice %arg3[%select_n3A_9, %mul3A_32] : memref<8x65536xi32, #tpu.memory_space<hbm>> -> memref<1x512xi32, #tpu.memory_space<hbm>>
      %dma_start3A_231 = tpu.memref_squeeze %dma_start3A_230 : memref<1x512xi32, #tpu.memory_space<hbm>> -> memref<512xi32, #tpu.memory_space<hbm>>
      %dma_start3A_232 = tpu.memref_slice %arg3[%select_n3A_9, %mul3A_32] : memref<8x65536xi32, #tpu.memory_space<hbm>> -> memref<1x512xi32, #tpu.memory_space<hbm>>
      %dma_start3A_233 = tpu.memref_squeeze %dma_start3A_232 : memref<1x512xi32, #tpu.memory_space<hbm>> -> memref<512xi32, #tpu.memory_space<hbm>>
      tpu.enqueue_dma source(%dma_start3A_233 : memref<512xi32, #tpu.memory_space<hbm>>) target(%arg8 : memref<512xi32, #tpu.memory_space<vmem>>) target_semaphore(%run_scoped3A : memref<!tpu.dma_semaphore, #tpu.memory_space<semaphore_mem>>)
      %dma_wait3A_234 = tpu.memref_slice %arg3[%select_n3A_9, %mul3A_32] : memref<8x65536xi32, #tpu.memory_space<hbm>> -> memref<1x512xi32, #tpu.memory_space<hbm>>
      %dma_wait3A_235 = tpu.memref_squeeze %dma_wait3A_234 : memref<1x512xi32, #tpu.memory_space<hbm>> -> memref<512xi32, #tpu.memory_space<hbm>>
      %dma_wait3A_236 = tpu.memref_slice %arg3[%select_n3A_9, %mul3A_32] : memref<8x65536xi32, #tpu.memory_space<hbm>> -> memref<1x512xi32, #tpu.memory_space<hbm>>
      %dma_wait3A_237 = tpu.memref_squeeze %dma_wait3A_236 : memref<1x512xi32, #tpu.memory_space<hbm>> -> memref<512xi32, #tpu.memory_space<hbm>>
      tpu.wait_dma2 semaphore(%run_scoped3A : memref<!tpu.dma_semaphore, #tpu.memory_space<semaphore_mem>>) src(%dma_wait3A_237 : memref<512xi32, #tpu.memory_space<hbm>>) dst(%arg8 : memref<512xi32, #tpu.memory_space<vmem>>)
      tpu.yield
    }) : () -> ()
    %dma_start3A = arith.constant 0 : i32
    %dma_start3A_36 = arith.constant 0 : i32
    %dma_start3A_37 = tpu.memref_slice %arg2[%dma_start3A, %dma_start3A_36] : memref<4096x64xf32, #tpu.memory_space<hbm>> -> memref<4096x64xf32, #tpu.memory_space<hbm>>
    tpu.enqueue_indirect_dma source(%dma_start3A_37 : memref<4096x64xf32, #tpu.memory_space<hbm>>) target(%arg10 : memref<512x64xf32, #tpu.memory_space<vmem>>) offsets(%arg8 : memref<512xi32, #tpu.memory_space<vmem>>) semaphore(%arg14 : memref<!tpu.dma_semaphore, #tpu.memory_space<semaphore_mem>>)
    %add3A_38 = arith.constant 512 : i32
    %add3A_39 = arith.addi %mul3A_32, %add3A_38 : i32
    "tpu.region"() ({
      %run_scoped3A = tpu.sem_alloc : memref<!tpu.dma_semaphore, #tpu.memory_space<semaphore_mem>>
      %dma_start3A_230 = tpu.memref_slice %arg3[%select_n3A_9, %add3A_39] : memref<8x65536xi32, #tpu.memory_space<hbm>> -> memref<1x512xi32, #tpu.memory_space<hbm>>
      %dma_start3A_231 = tpu.memref_squeeze %dma_start3A_230 : memref<1x512xi32, #tpu.memory_space<hbm>> -> memref<512xi32, #tpu.memory_space<hbm>>
      %dma_start3A_232 = tpu.memref_slice %arg3[%select_n3A_9, %add3A_39] : memref<8x65536xi32, #tpu.memory_space<hbm>> -> memref<1x512xi32, #tpu.memory_space<hbm>>
      %dma_start3A_233 = tpu.memref_squeeze %dma_start3A_232 : memref<1x512xi32, #tpu.memory_space<hbm>> -> memref<512xi32, #tpu.memory_space<hbm>>
      tpu.enqueue_dma source(%dma_start3A_233 : memref<512xi32, #tpu.memory_space<hbm>>) target(%arg9 : memref<512xi32, #tpu.memory_space<vmem>>) target_semaphore(%run_scoped3A : memref<!tpu.dma_semaphore, #tpu.memory_space<semaphore_mem>>)
      %dma_wait3A_234 = tpu.memref_slice %arg3[%select_n3A_9, %add3A_39] : memref<8x65536xi32, #tpu.memory_space<hbm>> -> memref<1x512xi32, #tpu.memory_space<hbm>>
      %dma_wait3A_235 = tpu.memref_squeeze %dma_wait3A_234 : memref<1x512xi32, #tpu.memory_space<hbm>> -> memref<512xi32, #tpu.memory_space<hbm>>
      %dma_wait3A_236 = tpu.memref_slice %arg3[%select_n3A_9, %add3A_39] : memref<8x65536xi32, #tpu.memory_space<hbm>> -> memref<1x512xi32, #tpu.memory_space<hbm>>
      %dma_wait3A_237 = tpu.memref_squeeze %dma_wait3A_236 : memref<1x512xi32, #tpu.memory_space<hbm>> -> memref<512xi32, #tpu.memory_space<hbm>>
      tpu.wait_dma2 semaphore(%run_scoped3A : memref<!tpu.dma_semaphore, #tpu.memory_space<semaphore_mem>>) src(%dma_wait3A_237 : memref<512xi32, #tpu.memory_space<hbm>>) dst(%arg9 : memref<512xi32, #tpu.memory_space<vmem>>)
      tpu.yield
    }) : () -> ()
    %dma_start3A_40 = arith.constant 0 : i32
    %dma_start3A_41 = arith.constant 0 : i32
    %dma_start3A_42 = tpu.memref_slice %arg2[%dma_start3A_40, %dma_start3A_41] : memref<4096x64xf32, #tpu.memory_space<hbm>> -> memref<4096x64xf32, #tpu.memory_space<hbm>>
    tpu.enqueue_indirect_dma source(%dma_start3A_42 : memref<4096x64xf32, #tpu.memory_space<hbm>>) target(%arg11 : memref<512x64xf32, #tpu.memory_space<vmem>>) offsets(%arg9 : memref<512xi32, #tpu.memory_space<vmem>>) semaphore(%arg15 : memref<!tpu.dma_semaphore, #tpu.memory_space<semaphore_mem>>)
    %dma_wait3A = arith.constant 0 : i32
    %dma_wait3A_43 = arith.constant 0 : i32
    %dma_wait3A_44 = tpu.memref_slice %arg2[%dma_wait3A, %dma_wait3A_43] : memref<4096x64xf32, #tpu.memory_space<hbm>> -> memref<4096x64xf32, #tpu.memory_space<hbm>>
    tpu.wait_indirect_dma semaphore(%arg14 : memref<!tpu.dma_semaphore, #tpu.memory_space<semaphore_mem>>) src(%dma_wait3A_44 : memref<4096x64xf32, #tpu.memory_space<hbm>>) dst(%arg10 : memref<512x64xf32, #tpu.memory_space<vmem>>)
    %add3A_45 = arith.constant 0 : i32
    %add3A_46 = arith.addi %mul3A_32, %add3A_45 : i32
    %mul3A_47 = arith.constant 64 : i32
    %mul3A_48 = arith.muli %select_n3A_9, %mul3A_47 : i32
    "tpu.region"() ({
      %run_scoped3A = tpu.sem_alloc : memref<!tpu.dma_semaphore, #tpu.memory_space<semaphore_mem>>
      %dma_start3A_230 = tpu.memref_slice %arg6[%add3A_46, %mul3A_48] : memref<65536x256xf32, #tpu.memory_space<hbm>> -> memref<512x64xf32, #tpu.memory_space<hbm>>
      %dma_start3A_231 = tpu.memref_slice %arg6[%add3A_46, %mul3A_48] : memref<65536x256xf32, #tpu.memory_space<hbm>> -> memref<512x64xf32, #tpu.memory_space<hbm>>
      tpu.enqueue_dma source(%arg10 : memref<512x64xf32, #tpu.memory_space<vmem>>) target(%dma_start3A_231 : memref<512x64xf32, #tpu.memory_space<hbm>>) target_semaphore(%run_scoped3A : memref<!tpu.dma_semaphore, #tpu.memory_space<semaphore_mem>>)
      %dma_wait3A_232 = tpu.memref_slice %arg6[%add3A_46, %mul3A_48] : memref<65536x256xf32, #tpu.memory_space<hbm>> -> memref<512x64xf32, #tpu.memory_space<hbm>>
      %dma_wait3A_233 = tpu.memref_slice %arg6[%add3A_46, %mul3A_48] : memref<65536x256xf32, #tpu.memory_space<hbm>> -> memref<512x64xf32, #tpu.memory_space<hbm>>
      tpu.wait_dma2 semaphore(%run_scoped3A : memref<!tpu.dma_semaphore, #tpu.memory_space<semaphore_mem>>) src(%arg10 : memref<512x64xf32, #tpu.memory_space<vmem>>) dst(%dma_wait3A_233 : memref<512x64xf32, #tpu.memory_space<hbm>>)
      tpu.yield
    }) : () -> ()
    "tpu.region"() ({
      %run_scoped3A = tpu.sem_alloc : memref<!tpu.dma_semaphore, #tpu.memory_space<semaphore_mem>>
      %dma_start3A_230 = arith.constant 0 : i32
      %dma_start3A_231 = arith.constant 0 : i32
      %dma_start3A_232 = tpu.memref_slice %arg13[%dma_start3A_230, %dma_start3A_231] : memref<4096x16xf32, #tpu.memory_space<vmem_shared>> -> memref<4096x16xf32, #tpu.memory_space<vmem_shared>>
      tpu.enqueue_indirect_dma source(%arg12 : memref<512x16xf32, #tpu.memory_space<vmem>>) target(%dma_start3A_232 : memref<4096x16xf32, #tpu.memory_space<vmem_shared>>) offsets(%arg8 : memref<512xi32, #tpu.memory_space<vmem>>) semaphore(%run_scoped3A : memref<!tpu.dma_semaphore, #tpu.memory_space<semaphore_mem>>) {add = true}
      %dma_wait3A_233 = arith.constant 0 : i32
      %dma_wait3A_234 = arith.constant 0 : i32
      %dma_wait3A_235 = tpu.memref_slice %arg13[%dma_wait3A_233, %dma_wait3A_234] : memref<4096x16xf32, #tpu.memory_space<vmem_shared>> -> memref<4096x16xf32, #tpu.memory_space<vmem_shared>>
      tpu.wait_indirect_dma semaphore(%run_scoped3A : memref<!tpu.dma_semaphore, #tpu.memory_space<semaphore_mem>>) src(%arg12 : memref<512x16xf32, #tpu.memory_space<vmem>>) dst(%dma_wait3A_235 : memref<4096x16xf32, #tpu.memory_space<vmem_shared>>)
      tpu.yield
    }) : () -> ()
    %add3A_49 = arith.constant 1024 : i32
    %add3A_50 = arith.addi %mul3A_32, %add3A_49 : i32
    "tpu.region"() ({
      %run_scoped3A = tpu.sem_alloc : memref<!tpu.dma_semaphore, #tpu.memory_space<semaphore_mem>>
      %dma_start3A_230 = tpu.memref_slice %arg3[%select_n3A_9, %add3A_50] : memref<8x65536xi32, #tpu.memory_space<hbm>> -> memref<1x512xi32, #tpu.memory_space<hbm>>
      %dma_start3A_231 = tpu.memref_squeeze %dma_start3A_230 : memref<1x512xi32, #tpu.memory_space<hbm>> -> memref<512xi32, #tpu.memory_space<hbm>>
      %dma_start3A_232 = tpu.memref_slice %arg3[%select_n3A_9, %add3A_50] : memref<8x65536xi32, #tpu.memory_space<hbm>> -> memref<1x512xi32, #tpu.memory_space<hbm>>
      %dma_start3A_233 = tpu.memref_squeeze %dma_start3A_232 : memref<1x512xi32, #tpu.memory_space<hbm>> -> memref<512xi32, #tpu.memory_space<hbm>>
      tpu.enqueue_dma source(%dma_start3A_233 : memref<512xi32, #tpu.memory_space<hbm>>) target(%arg8 : memref<512xi32, #tpu.memory_space<vmem>>) target_semaphore(%run_scoped3A : memref<!tpu.dma_semaphore, #tpu.memory_space<semaphore_mem>>)
      %dma_wait3A_234 = tpu.memref_slice %arg3[%select_n3A_9, %add3A_50] : memref<8x65536xi32, #tpu.memory_space<hbm>> -> memref<1x512xi32, #tpu.memory_space<hbm>>
      %dma_wait3A_235 = tpu.memref_squeeze %dma_wait3A_234 : memref<1x512xi32, #tpu.memory_space<hbm>> -> memref<512xi32, #tpu.memory_space<hbm>>
      %dma_wait3A_236 = tpu.memref_slice %arg3[%select_n3A_9, %add3A_50] : memref<8x65536xi32, #tpu.memory_space<hbm>> -> memref<1x512xi32, #tpu.memory_space<hbm>>
      %dma_wait3A_237 = tpu.memref_squeeze %dma_wait3A_236 : memref<1x512xi32, #tpu.memory_space<hbm>> -> memref<512xi32, #tpu.memory_space<hbm>>
      tpu.wait_dma2 semaphore(%run_scoped3A : memref<!tpu.dma_semaphore, #tpu.memory_space<semaphore_mem>>) src(%dma_wait3A_237 : memref<512xi32, #tpu.memory_space<hbm>>) dst(%arg8 : memref<512xi32, #tpu.memory_space<vmem>>)
      tpu.yield
    }) : () -> ()
    %dma_start3A_51 = arith.constant 0 : i32
    %dma_start3A_52 = arith.constant 0 : i32
    %dma_start3A_53 = tpu.memref_slice %arg2[%dma_start3A_51, %dma_start3A_52] : memref<4096x64xf32, #tpu.memory_space<hbm>> -> memref<4096x64xf32, #tpu.memory_space<hbm>>
    tpu.enqueue_indirect_dma source(%dma_start3A_53 : memref<4096x64xf32, #tpu.memory_space<hbm>>) target(%arg10 : memref<512x64xf32, #tpu.memory_space<vmem>>) offsets(%arg8 : memref<512xi32, #tpu.memory_space<vmem>>) semaphore(%arg14 : memref<!tpu.dma_semaphore, #tpu.memory_space<semaphore_mem>>)
    %dma_wait3A_54 = arith.constant 0 : i32
    %dma_wait3A_55 = arith.constant 0 : i32
    %dma_wait3A_56 = tpu.memref_slice %arg2[%dma_wait3A_54, %dma_wait3A_55] : memref<4096x64xf32, #tpu.memory_space<hbm>> -> memref<4096x64xf32, #tpu.memory_space<hbm>>
    tpu.wait_indirect_dma semaphore(%arg15 : memref<!tpu.dma_semaphore, #tpu.memory_space<semaphore_mem>>) src(%dma_wait3A_56 : memref<4096x64xf32, #tpu.memory_space<hbm>>) dst(%arg11 : memref<512x64xf32, #tpu.memory_space<vmem>>)
    %add3A_57 = arith.constant 512 : i32
    %add3A_58 = arith.addi %mul3A_32, %add3A_57 : i32
    %mul3A_59 = arith.constant 64 : i32
    %mul3A_60 = arith.muli %select_n3A_9, %mul3A_59 : i32
    "tpu.region"() ({
      %run_scoped3A = tpu.sem_alloc : memref<!tpu.dma_semaphore, #tpu.memory_space<semaphore_mem>>
      %dma_start3A_230 = tpu.memref_slice %arg6[%add3A_58, %mul3A_60] : memref<65536x256xf32, #tpu.memory_space<hbm>> -> memref<512x64xf32, #tpu.memory_space<hbm>>
      %dma_start3A_231 = tpu.memref_slice %arg6[%add3A_58, %mul3A_60] : memref<65536x256xf32, #tpu.memory_space<hbm>> -> memref<512x64xf32, #tpu.memory_space<hbm>>
      tpu.enqueue_dma source(%arg11 : memref<512x64xf32, #tpu.memory_space<vmem>>) target(%dma_start3A_231 : memref<512x64xf32, #tpu.memory_space<hbm>>) target_semaphore(%run_scoped3A : memref<!tpu.dma_semaphore, #tpu.memory_space<semaphore_mem>>)
      %dma_wait3A_232 = tpu.memref_slice %arg6[%add3A_58, %mul3A_60] : memref<65536x256xf32, #tpu.memory_space<hbm>> -> memref<512x64xf32, #tpu.memory_space<hbm>>
      %dma_wait3A_233 = tpu.memref_slice %arg6[%add3A_58, %mul3A_60] : memref<65536x256xf32, #tpu.memory_space<hbm>> -> memref<512x64xf32, #tpu.memory_space<hbm>>
      tpu.wait_dma2 semaphore(%run_scoped3A : memref<!tpu.dma_semaphore, #tpu.memory_space<semaphore_mem>>) src(%arg11 : memref<512x64xf32, #tpu.memory_space<vmem>>) dst(%dma_wait3A_233 : memref<512x64xf32, #tpu.memory_space<hbm>>)
      tpu.yield
    }) : () -> ()
    "tpu.region"() ({
      %run_scoped3A = tpu.sem_alloc : memref<!tpu.dma_semaphore, #tpu.memory_space<semaphore_mem>>
      %dma_start3A_230 = arith.constant 0 : i32
      %dma_start3A_231 = arith.constant 0 : i32
      %dma_start3A_232 = tpu.memref_slice %arg13[%dma_start3A_230, %dma_start3A_231] : memref<4096x16xf32, #tpu.memory_space<vmem_shared>> -> memref<4096x16xf32, #tpu.memory_space<vmem_shared>>
      tpu.enqueue_indirect_dma source(%arg12 : memref<512x16xf32, #tpu.memory_space<vmem>>) target(%dma_start3A_232 : memref<4096x16xf32, #tpu.memory_space<vmem_shared>>) offsets(%arg9 : memref<512xi32, #tpu.memory_space<vmem>>) semaphore(%run_scoped3A : memref<!tpu.dma_semaphore, #tpu.memory_space<semaphore_mem>>) {add = true}
      %dma_wait3A_233 = arith.constant 0 : i32
      %dma_wait3A_234 = arith.constant 0 : i32
      %dma_wait3A_235 = tpu.memref_slice %arg13[%dma_wait3A_233, %dma_wait3A_234] : memref<4096x16xf32, #tpu.memory_space<vmem_shared>> -> memref<4096x16xf32, #tpu.memory_space<vmem_shared>>
      tpu.wait_indirect_dma semaphore(%run_scoped3A : memref<!tpu.dma_semaphore, #tpu.memory_space<semaphore_mem>>) src(%arg12 : memref<512x16xf32, #tpu.memory_space<vmem>>) dst(%dma_wait3A_235 : memref<4096x16xf32, #tpu.memory_space<vmem_shared>>)
      tpu.yield
    }) : () -> ()
    %add3A_61 = arith.constant 1536 : i32
    %add3A_62 = arith.addi %mul3A_32, %add3A_61 : i32
    "tpu.region"() ({
      %run_scoped3A = tpu.sem_alloc : memref<!tpu.dma_semaphore, #tpu.memory_space<semaphore_mem>>
      %dma_start3A_230 = tpu.memref_slice %arg3[%select_n3A_9, %add3A_62] : memref<8x65536xi32, #tpu.memory_space<hbm>> -> memref<1x512xi32, #tpu.memory_space<hbm>>
      %dma_start3A_231 = tpu.memref_squeeze %dma_start3A_230 : memref<1x512xi32, #tpu.memory_space<hbm>> -> memref<512xi32, #tpu.memory_space<hbm>>
      %dma_start3A_232 = tpu.memref_slice %arg3[%select_n3A_9, %add3A_62] : memref<8x65536xi32, #tpu.memory_space<hbm>> -> memref<1x512xi32, #tpu.memory_space<hbm>>
      %dma_start3A_233 = tpu.memref_squeeze %dma_start3A_232 : memref<1x512xi32, #tpu.memory_space<hbm>> -> memref<512xi32, #tpu.memory_space<hbm>>
      tpu.enqueue_dma source(%dma_start3A_233 : memref<512xi32, #tpu.memory_space<hbm>>) target(%arg9 : memref<512xi32, #tpu.memory_space<vmem>>) target_semaphore(%run_scoped3A : memref<!tpu.dma_semaphore, #tpu.memory_space<semaphore_mem>>)
      %dma_wait3A_234 = tpu.memref_slice %arg3[%select_n3A_9, %add3A_62] : memref<8x65536xi32, #tpu.memory_space<hbm>> -> memref<1x512xi32, #tpu.memory_space<hbm>>
      %dma_wait3A_235 = tpu.memref_squeeze %dma_wait3A_234 : memref<1x512xi32, #tpu.memory_space<hbm>> -> memref<512xi32, #tpu.memory_space<hbm>>
      %dma_wait3A_236 = tpu.memref_slice %arg3[%select_n3A_9, %add3A_62] : memref<8x65536xi32, #tpu.memory_space<hbm>> -> memref<1x512xi32, #tpu.memory_space<hbm>>
      %dma_wait3A_237 = tpu.memref_squeeze %dma_wait3A_236 : memref<1x512xi32, #tpu.memory_space<hbm>> -> memref<512xi32, #tpu.memory_space<hbm>>
      tpu.wait_dma2 semaphore(%run_scoped3A : memref<!tpu.dma_semaphore, #tpu.memory_space<semaphore_mem>>) src(%dma_wait3A_237 : memref<512xi32, #tpu.memory_space<hbm>>) dst(%arg9 : memref<512xi32, #tpu.memory_space<vmem>>)
      tpu.yield
    }) : () -> ()
    %dma_start3A_63 = arith.constant 0 : i32
    %dma_start3A_64 = arith.constant 0 : i32
    %dma_start3A_65 = tpu.memref_slice %arg2[%dma_start3A_63, %dma_start3A_64] : memref<4096x64xf32, #tpu.memory_space<hbm>> -> memref<4096x64xf32, #tpu.memory_space<hbm>>
    tpu.enqueue_indirect_dma source(%dma_start3A_65 : memref<4096x64xf32, #tpu.memory_space<hbm>>) target(%arg11 : memref<512x64xf32, #tpu.memory_space<vmem>>) offsets(%arg9 : memref<512xi32, #tpu.memory_space<vmem>>) semaphore(%arg15 : memref<!tpu.dma_semaphore, #tpu.memory_space<semaphore_mem>>)
    %dma_wait3A_66 = arith.constant 0 : i32
    %dma_wait3A_67 = arith.constant 0 : i32
    %dma_wait3A_68 = tpu.memref_slice %arg2[%dma_wait3A_66, %dma_wait3A_67] : memref<4096x64xf32, #tpu.memory_space<hbm>> -> memref<4096x64xf32, #tpu.memory_space<hbm>>
    tpu.wait_indirect_dma semaphore(%arg14 : memref<!tpu.dma_semaphore, #tpu.memory_space<semaphore_mem>>) src(%dma_wait3A_68 : memref<4096x64xf32, #tpu.memory_space<hbm>>) dst(%arg10 : memref<512x64xf32, #tpu.memory_space<vmem>>)
    %add3A_69 = arith.constant 1024 : i32
    %add3A_70 = arith.addi %mul3A_32, %add3A_69 : i32
    %mul3A_71 = arith.constant 64 : i32
    %mul3A_72 = arith.muli %select_n3A_9, %mul3A_71 : i32
    "tpu.region"() ({
      %run_scoped3A = tpu.sem_alloc : memref<!tpu.dma_semaphore, #tpu.memory_space<semaphore_mem>>
      %dma_start3A_230 = tpu.memref_slice %arg6[%add3A_70, %mul3A_72] : memref<65536x256xf32, #tpu.memory_space<hbm>> -> memref<512x64xf32, #tpu.memory_space<hbm>>
      %dma_start3A_231 = tpu.memref_slice %arg6[%add3A_70, %mul3A_72] : memref<65536x256xf32, #tpu.memory_space<hbm>> -> memref<512x64xf32, #tpu.memory_space<hbm>>
      tpu.enqueue_dma source(%arg10 : memref<512x64xf32, #tpu.memory_space<vmem>>) target(%dma_start3A_231 : memref<512x64xf32, #tpu.memory_space<hbm>>) target_semaphore(%run_scoped3A : memref<!tpu.dma_semaphore, #tpu.memory_space<semaphore_mem>>)
      %dma_wait3A_232 = tpu.memref_slice %arg6[%add3A_70, %mul3A_72] : memref<65536x256xf32, #tpu.memory_space<hbm>> -> memref<512x64xf32, #tpu.memory_space<hbm>>
      %dma_wait3A_233 = tpu.memref_slice %arg6[%add3A_70, %mul3A_72] : memref<65536x256xf32, #tpu.memory_space<hbm>> -> memref<512x64xf32, #tpu.memory_space<hbm>>
      tpu.wait_dma2 semaphore(%run_scoped3A : memref<!tpu.dma_semaphore, #tpu.memory_space<semaphore_mem>>) src(%arg10 : memref<512x64xf32, #tpu.memory_space<vmem>>) dst(%dma_wait3A_233 : memref<512x64xf32, #tpu.memory_space<hbm>>)
      tpu.yield
    }) : () -> ()
    "tpu.region"() ({
      %run_scoped3A = tpu.sem_alloc : memref<!tpu.dma_semaphore, #tpu.memory_space<semaphore_mem>>
      %dma_start3A_230 = arith.constant 0 : i32
      %dma_start3A_231 = arith.constant 0 : i32
      %dma_start3A_232 = tpu.memref_slice %arg13[%dma_start3A_230, %dma_start3A_231] : memref<4096x16xf32, #tpu.memory_space<vmem_shared>> -> memref<4096x16xf32, #tpu.memory_space<vmem_shared>>
      tpu.enqueue_indirect_dma source(%arg12 : memref<512x16xf32, #tpu.memory_space<vmem>>) target(%dma_start3A_232 : memref<4096x16xf32, #tpu.memory_space<vmem_shared>>) offsets(%arg8 : memref<512xi32, #tpu.memory_space<vmem>>) semaphore(%run_scoped3A : memref<!tpu.dma_semaphore, #tpu.memory_space<semaphore_mem>>) {add = true}
      %dma_wait3A_233 = arith.constant 0 : i32
      %dma_wait3A_234 = arith.constant 0 : i32
      %dma_wait3A_235 = tpu.memref_slice %arg13[%dma_wait3A_233, %dma_wait3A_234] : memref<4096x16xf32, #tpu.memory_space<vmem_shared>> -> memref<4096x16xf32, #tpu.memory_space<vmem_shared>>
      tpu.wait_indirect_dma semaphore(%run_scoped3A : memref<!tpu.dma_semaphore, #tpu.memory_space<semaphore_mem>>) src(%arg12 : memref<512x16xf32, #tpu.memory_space<vmem>>) dst(%dma_wait3A_235 : memref<4096x16xf32, #tpu.memory_space<vmem_shared>>)
      tpu.yield
    }) : () -> ()
    %add3A_73 = arith.constant 2048 : i32
    %add3A_74 = arith.addi %mul3A_32, %add3A_73 : i32
    "tpu.region"() ({
      %run_scoped3A = tpu.sem_alloc : memref<!tpu.dma_semaphore, #tpu.memory_space<semaphore_mem>>
      %dma_start3A_230 = tpu.memref_slice %arg3[%select_n3A_9, %add3A_74] : memref<8x65536xi32, #tpu.memory_space<hbm>> -> memref<1x512xi32, #tpu.memory_space<hbm>>
      %dma_start3A_231 = tpu.memref_squeeze %dma_start3A_230 : memref<1x512xi32, #tpu.memory_space<hbm>> -> memref<512xi32, #tpu.memory_space<hbm>>
      %dma_start3A_232 = tpu.memref_slice %arg3[%select_n3A_9, %add3A_74] : memref<8x65536xi32, #tpu.memory_space<hbm>> -> memref<1x512xi32, #tpu.memory_space<hbm>>
      %dma_start3A_233 = tpu.memref_squeeze %dma_start3A_232 : memref<1x512xi32, #tpu.memory_space<hbm>> -> memref<512xi32, #tpu.memory_space<hbm>>
      tpu.enqueue_dma source(%dma_start3A_233 : memref<512xi32, #tpu.memory_space<hbm>>) target(%arg8 : memref<512xi32, #tpu.memory_space<vmem>>) target_semaphore(%run_scoped3A : memref<!tpu.dma_semaphore, #tpu.memory_space<semaphore_mem>>)
      %dma_wait3A_234 = tpu.memref_slice %arg3[%select_n3A_9, %add3A_74] : memref<8x65536xi32, #tpu.memory_space<hbm>> -> memref<1x512xi32, #tpu.memory_space<hbm>>
      %dma_wait3A_235 = tpu.memref_squeeze %dma_wait3A_234 : memref<1x512xi32, #tpu.memory_space<hbm>> -> memref<512xi32, #tpu.memory_space<hbm>>
      %dma_wait3A_236 = tpu.memref_slice %arg3[%select_n3A_9, %add3A_74] : memref<8x65536xi32, #tpu.memory_space<hbm>> -> memref<1x512xi32, #tpu.memory_space<hbm>>
      %dma_wait3A_237 = tpu.memref_squeeze %dma_wait3A_236 : memref<1x512xi32, #tpu.memory_space<hbm>> -> memref<512xi32, #tpu.memory_space<hbm>>
      tpu.wait_dma2 semaphore(%run_scoped3A : memref<!tpu.dma_semaphore, #tpu.memory_space<semaphore_mem>>) src(%dma_wait3A_237 : memref<512xi32, #tpu.memory_space<hbm>>) dst(%arg8 : memref<512xi32, #tpu.memory_space<vmem>>)
      tpu.yield
    }) : () -> ()
    %dma_start3A_75 = arith.constant 0 : i32
    %dma_start3A_76 = arith.constant 0 : i32
    %dma_start3A_77 = tpu.memref_slice %arg2[%dma_start3A_75, %dma_start3A_76] : memref<4096x64xf32, #tpu.memory_space<hbm>> -> memref<4096x64xf32, #tpu.memory_space<hbm>>
    tpu.enqueue_indirect_dma source(%dma_start3A_77 : memref<4096x64xf32, #tpu.memory_space<hbm>>) target(%arg10 : memref<512x64xf32, #tpu.memory_space<vmem>>) offsets(%arg8 : memref<512xi32, #tpu.memory_space<vmem>>) semaphore(%arg14 : memref<!tpu.dma_semaphore, #tpu.memory_space<semaphore_mem>>)
    %dma_wait3A_78 = arith.constant 0 : i32
    %dma_wait3A_79 = arith.constant 0 : i32
    %dma_wait3A_80 = tpu.memref_slice %arg2[%dma_wait3A_78, %dma_wait3A_79] : memref<4096x64xf32, #tpu.memory_space<hbm>> -> memref<4096x64xf32, #tpu.memory_space<hbm>>
    tpu.wait_indirect_dma semaphore(%arg15 : memref<!tpu.dma_semaphore, #tpu.memory_space<semaphore_mem>>) src(%dma_wait3A_80 : memref<4096x64xf32, #tpu.memory_space<hbm>>) dst(%arg11 : memref<512x64xf32, #tpu.memory_space<vmem>>)
    %add3A_81 = arith.constant 1536 : i32
    %add3A_82 = arith.addi %mul3A_32, %add3A_81 : i32
    %mul3A_83 = arith.constant 64 : i32
    %mul3A_84 = arith.muli %select_n3A_9, %mul3A_83 : i32
    "tpu.region"() ({
      %run_scoped3A = tpu.sem_alloc : memref<!tpu.dma_semaphore, #tpu.memory_space<semaphore_mem>>
      %dma_start3A_230 = tpu.memref_slice %arg6[%add3A_82, %mul3A_84] : memref<65536x256xf32, #tpu.memory_space<hbm>> -> memref<512x64xf32, #tpu.memory_space<hbm>>
      %dma_start3A_231 = tpu.memref_slice %arg6[%add3A_82, %mul3A_84] : memref<65536x256xf32, #tpu.memory_space<hbm>> -> memref<512x64xf32, #tpu.memory_space<hbm>>
      tpu.enqueue_dma source(%arg11 : memref<512x64xf32, #tpu.memory_space<vmem>>) target(%dma_start3A_231 : memref<512x64xf32, #tpu.memory_space<hbm>>) target_semaphore(%run_scoped3A : memref<!tpu.dma_semaphore, #tpu.memory_space<semaphore_mem>>)
      %dma_wait3A_232 = tpu.memref_slice %arg6[%add3A_82, %mul3A_84] : memref<65536x256xf32, #tpu.memory_space<hbm>> -> memref<512x64xf32, #tpu.memory_space<hbm>>
      %dma_wait3A_233 = tpu.memref_slice %arg6[%add3A_82, %mul3A_84] : memref<65536x256xf32, #tpu.memory_space<hbm>> -> memref<512x64xf32, #tpu.memory_space<hbm>>
      tpu.wait_dma2 semaphore(%run_scoped3A : memref<!tpu.dma_semaphore, #tpu.memory_space<semaphore_mem>>) src(%arg11 : memref<512x64xf32, #tpu.memory_space<vmem>>) dst(%dma_wait3A_233 : memref<512x64xf32, #tpu.memory_space<hbm>>)
      tpu.yield
    }) : () -> ()
    "tpu.region"() ({
      %run_scoped3A = tpu.sem_alloc : memref<!tpu.dma_semaphore, #tpu.memory_space<semaphore_mem>>
      %dma_start3A_230 = arith.constant 0 : i32
      %dma_start3A_231 = arith.constant 0 : i32
      %dma_start3A_232 = tpu.memref_slice %arg13[%dma_start3A_230, %dma_start3A_231] : memref<4096x16xf32, #tpu.memory_space<vmem_shared>> -> memref<4096x16xf32, #tpu.memory_space<vmem_shared>>
      tpu.enqueue_indirect_dma source(%arg12 : memref<512x16xf32, #tpu.memory_space<vmem>>) target(%dma_start3A_232 : memref<4096x16xf32, #tpu.memory_space<vmem_shared>>) offsets(%arg9 : memref<512xi32, #tpu.memory_space<vmem>>) semaphore(%run_scoped3A : memref<!tpu.dma_semaphore, #tpu.memory_space<semaphore_mem>>) {add = true}
      %dma_wait3A_233 = arith.constant 0 : i32
      %dma_wait3A_234 = arith.constant 0 : i32
      %dma_wait3A_235 = tpu.memref_slice %arg13[%dma_wait3A_233, %dma_wait3A_234] : memref<4096x16xf32, #tpu.memory_space<vmem_shared>> -> memref<4096x16xf32, #tpu.memory_space<vmem_shared>>
      tpu.wait_indirect_dma semaphore(%run_scoped3A : memref<!tpu.dma_semaphore, #tpu.memory_space<semaphore_mem>>) src(%arg12 : memref<512x16xf32, #tpu.memory_space<vmem>>) dst(%dma_wait3A_235 : memref<4096x16xf32, #tpu.memory_space<vmem_shared>>)
      tpu.yield
    }) : () -> ()
    %add3A_85 = arith.constant 2560 : i32
    %add3A_86 = arith.addi %mul3A_32, %add3A_85 : i32
    "tpu.region"() ({
      %run_scoped3A = tpu.sem_alloc : memref<!tpu.dma_semaphore, #tpu.memory_space<semaphore_mem>>
      %dma_start3A_230 = tpu.memref_slice %arg3[%select_n3A_9, %add3A_86] : memref<8x65536xi32, #tpu.memory_space<hbm>> -> memref<1x512xi32, #tpu.memory_space<hbm>>
      %dma_start3A_231 = tpu.memref_squeeze %dma_start3A_230 : memref<1x512xi32, #tpu.memory_space<hbm>> -> memref<512xi32, #tpu.memory_space<hbm>>
      %dma_start3A_232 = tpu.memref_slice %arg3[%select_n3A_9, %add3A_86] : memref<8x65536xi32, #tpu.memory_space<hbm>> -> memref<1x512xi32, #tpu.memory_space<hbm>>
      %dma_start3A_233 = tpu.memref_squeeze %dma_start3A_232 : memref<1x512xi32, #tpu.memory_space<hbm>> -> memref<512xi32, #tpu.memory_space<hbm>>
      tpu.enqueue_dma source(%dma_start3A_233 : memref<512xi32, #tpu.memory_space<hbm>>) target(%arg9 : memref<512xi32, #tpu.memory_space<vmem>>) target_semaphore(%run_scoped3A : memref<!tpu.dma_semaphore, #tpu.memory_space<semaphore_mem>>)
      %dma_wait3A_234 = tpu.memref_slice %arg3[%select_n3A_9, %add3A_86] : memref<8x65536xi32, #tpu.memory_space<hbm>> -> memref<1x512xi32, #tpu.memory_space<hbm>>
      %dma_wait3A_235 = tpu.memref_squeeze %dma_wait3A_234 : memref<1x512xi32, #tpu.memory_space<hbm>> -> memref<512xi32, #tpu.memory_space<hbm>>
      %dma_wait3A_236 = tpu.memref_slice %arg3[%select_n3A_9, %add3A_86] : memref<8x65536xi32, #tpu.memory_space<hbm>> -> memref<1x512xi32, #tpu.memory_space<hbm>>
      %dma_wait3A_237 = tpu.memref_squeeze %dma_wait3A_236 : memref<1x512xi32, #tpu.memory_space<hbm>> -> memref<512xi32, #tpu.memory_space<hbm>>
      tpu.wait_dma2 semaphore(%run_scoped3A : memref<!tpu.dma_semaphore, #tpu.memory_space<semaphore_mem>>) src(%dma_wait3A_237 : memref<512xi32, #tpu.memory_space<hbm>>) dst(%arg9 : memref<512xi32, #tpu.memory_space<vmem>>)
      tpu.yield
    }) : () -> ()
    %dma_start3A_87 = arith.constant 0 : i32
    %dma_start3A_88 = arith.constant 0 : i32
    %dma_start3A_89 = tpu.memref_slice %arg2[%dma_start3A_87, %dma_start3A_88] : memref<4096x64xf32, #tpu.memory_space<hbm>> -> memref<4096x64xf32, #tpu.memory_space<hbm>>
    tpu.enqueue_indirect_dma source(%dma_start3A_89 : memref<4096x64xf32, #tpu.memory_space<hbm>>) target(%arg11 : memref<512x64xf32, #tpu.memory_space<vmem>>) offsets(%arg9 : memref<512xi32, #tpu.memory_space<vmem>>) semaphore(%arg15 : memref<!tpu.dma_semaphore, #tpu.memory_space<semaphore_mem>>)
    %dma_wait3A_90 = arith.constant 0 : i32
    %dma_wait3A_91 = arith.constant 0 : i32
    %dma_wait3A_92 = tpu.memref_slice %arg2[%dma_wait3A_90, %dma_wait3A_91] : memref<4096x64xf32, #tpu.memory_space<hbm>> -> memref<4096x64xf32, #tpu.memory_space<hbm>>
    tpu.wait_indirect_dma semaphore(%arg14 : memref<!tpu.dma_semaphore, #tpu.memory_space<semaphore_mem>>) src(%dma_wait3A_92 : memref<4096x64xf32, #tpu.memory_space<hbm>>) dst(%arg10 : memref<512x64xf32, #tpu.memory_space<vmem>>)
    %add3A_93 = arith.constant 2048 : i32
    %add3A_94 = arith.addi %mul3A_32, %add3A_93 : i32
    %mul3A_95 = arith.constant 64 : i32
    %mul3A_96 = arith.muli %select_n3A_9, %mul3A_95 : i32
    "tpu.region"() ({
      %run_scoped3A = tpu.sem_alloc : memref<!tpu.dma_semaphore, #tpu.memory_space<semaphore_mem>>
      %dma_start3A_230 = tpu.memref_slice %arg6[%add3A_94, %mul3A_96] : memref<65536x256xf32, #tpu.memory_space<hbm>> -> memref<512x64xf32, #tpu.memory_space<hbm>>
      %dma_start3A_231 = tpu.memref_slice %arg6[%add3A_94, %mul3A_96] : memref<65536x256xf32, #tpu.memory_space<hbm>> -> memref<512x64xf32, #tpu.memory_space<hbm>>
      tpu.enqueue_dma source(%arg10 : memref<512x64xf32, #tpu.memory_space<vmem>>) target(%dma_start3A_231 : memref<512x64xf32, #tpu.memory_space<hbm>>) target_semaphore(%run_scoped3A : memref<!tpu.dma_semaphore, #tpu.memory_space<semaphore_mem>>)
      %dma_wait3A_232 = tpu.memref_slice %arg6[%add3A_94, %mul3A_96] : memref<65536x256xf32, #tpu.memory_space<hbm>> -> memref<512x64xf32, #tpu.memory_space<hbm>>
      %dma_wait3A_233 = tpu.memref_slice %arg6[%add3A_94, %mul3A_96] : memref<65536x256xf32, #tpu.memory_space<hbm>> -> memref<512x64xf32, #tpu.memory_space<hbm>>
      tpu.wait_dma2 semaphore(%run_scoped3A : memref<!tpu.dma_semaphore, #tpu.memory_space<semaphore_mem>>) src(%arg10 : memref<512x64xf32, #tpu.memory_space<vmem>>) dst(%dma_wait3A_233 : memref<512x64xf32, #tpu.memory_space<hbm>>)
      tpu.yield
    }) : () -> ()
    "tpu.region"() ({
      %run_scoped3A = tpu.sem_alloc : memref<!tpu.dma_semaphore, #tpu.memory_space<semaphore_mem>>
      %dma_start3A_230 = arith.constant 0 : i32
      %dma_start3A_231 = arith.constant 0 : i32
      %dma_start3A_232 = tpu.memref_slice %arg13[%dma_start3A_230, %dma_start3A_231] : memref<4096x16xf32, #tpu.memory_space<vmem_shared>> -> memref<4096x16xf32, #tpu.memory_space<vmem_shared>>
      tpu.enqueue_indirect_dma source(%arg12 : memref<512x16xf32, #tpu.memory_space<vmem>>) target(%dma_start3A_232 : memref<4096x16xf32, #tpu.memory_space<vmem_shared>>) offsets(%arg8 : memref<512xi32, #tpu.memory_space<vmem>>) semaphore(%run_scoped3A : memref<!tpu.dma_semaphore, #tpu.memory_space<semaphore_mem>>) {add = true}
      %dma_wait3A_233 = arith.constant 0 : i32
      %dma_wait3A_234 = arith.constant 0 : i32
      %dma_wait3A_235 = tpu.memref_slice %arg13[%dma_wait3A_233, %dma_wait3A_234] : memref<4096x16xf32, #tpu.memory_space<vmem_shared>> -> memref<4096x16xf32, #tpu.memory_space<vmem_shared>>
      tpu.wait_indirect_dma semaphore(%run_scoped3A : memref<!tpu.dma_semaphore, #tpu.memory_space<semaphore_mem>>) src(%arg12 : memref<512x16xf32, #tpu.memory_space<vmem>>) dst(%dma_wait3A_235 : memref<4096x16xf32, #tpu.memory_space<vmem_shared>>)
      tpu.yield
    }) : () -> ()
    %add3A_97 = arith.constant 3072 : i32
    %add3A_98 = arith.addi %mul3A_32, %add3A_97 : i32
    "tpu.region"() ({
      %run_scoped3A = tpu.sem_alloc : memref<!tpu.dma_semaphore, #tpu.memory_space<semaphore_mem>>
      %dma_start3A_230 = tpu.memref_slice %arg3[%select_n3A_9, %add3A_98] : memref<8x65536xi32, #tpu.memory_space<hbm>> -> memref<1x512xi32, #tpu.memory_space<hbm>>
      %dma_start3A_231 = tpu.memref_squeeze %dma_start3A_230 : memref<1x512xi32, #tpu.memory_space<hbm>> -> memref<512xi32, #tpu.memory_space<hbm>>
      %dma_start3A_232 = tpu.memref_slice %arg3[%select_n3A_9, %add3A_98] : memref<8x65536xi32, #tpu.memory_space<hbm>> -> memref<1x512xi32, #tpu.memory_space<hbm>>
      %dma_start3A_233 = tpu.memref_squeeze %dma_start3A_232 : memref<1x512xi32, #tpu.memory_space<hbm>> -> memref<512xi32, #tpu.memory_space<hbm>>
      tpu.enqueue_dma source(%dma_start3A_233 : memref<512xi32, #tpu.memory_space<hbm>>) target(%arg8 : memref<512xi32, #tpu.memory_space<vmem>>) target_semaphore(%run_scoped3A : memref<!tpu.dma_semaphore, #tpu.memory_space<semaphore_mem>>)
      %dma_wait3A_234 = tpu.memref_slice %arg3[%select_n3A_9, %add3A_98] : memref<8x65536xi32, #tpu.memory_space<hbm>> -> memref<1x512xi32, #tpu.memory_space<hbm>>
      %dma_wait3A_235 = tpu.memref_squeeze %dma_wait3A_234 : memref<1x512xi32, #tpu.memory_space<hbm>> -> memref<512xi32, #tpu.memory_space<hbm>>
      %dma_wait3A_236 = tpu.memref_slice %arg3[%select_n3A_9, %add3A_98] : memref<8x65536xi32, #tpu.memory_space<hbm>> -> memref<1x512xi32, #tpu.memory_space<hbm>>
      %dma_wait3A_237 = tpu.memref_squeeze %dma_wait3A_236 : memref<1x512xi32, #tpu.memory_space<hbm>> -> memref<512xi32, #tpu.memory_space<hbm>>
      tpu.wait_dma2 semaphore(%run_scoped3A : memref<!tpu.dma_semaphore, #tpu.memory_space<semaphore_mem>>) src(%dma_wait3A_237 : memref<512xi32, #tpu.memory_space<hbm>>) dst(%arg8 : memref<512xi32, #tpu.memory_space<vmem>>)
      tpu.yield
    }) : () -> ()
    %dma_start3A_99 = arith.constant 0 : i32
    %dma_start3A_100 = arith.constant 0 : i32
    %dma_start3A_101 = tpu.memref_slice %arg2[%dma_start3A_99, %dma_start3A_100] : memref<4096x64xf32, #tpu.memory_space<hbm>> -> memref<4096x64xf32, #tpu.memory_space<hbm>>
    tpu.enqueue_indirect_dma source(%dma_start3A_101 : memref<4096x64xf32, #tpu.memory_space<hbm>>) target(%arg10 : memref<512x64xf32, #tpu.memory_space<vmem>>) offsets(%arg8 : memref<512xi32, #tpu.memory_space<vmem>>) semaphore(%arg14 : memref<!tpu.dma_semaphore, #tpu.memory_space<semaphore_mem>>)
    %dma_wait3A_102 = arith.constant 0 : i32
    %dma_wait3A_103 = arith.constant 0 : i32
    %dma_wait3A_104 = tpu.memref_slice %arg2[%dma_wait3A_102, %dma_wait3A_103] : memref<4096x64xf32, #tpu.memory_space<hbm>> -> memref<4096x64xf32, #tpu.memory_space<hbm>>
    tpu.wait_indirect_dma semaphore(%arg15 : memref<!tpu.dma_semaphore, #tpu.memory_space<semaphore_mem>>) src(%dma_wait3A_104 : memref<4096x64xf32, #tpu.memory_space<hbm>>) dst(%arg11 : memref<512x64xf32, #tpu.memory_space<vmem>>)
    %add3A_105 = arith.constant 2560 : i32
    %add3A_106 = arith.addi %mul3A_32, %add3A_105 : i32
    %mul3A_107 = arith.constant 64 : i32
    %mul3A_108 = arith.muli %select_n3A_9, %mul3A_107 : i32
    "tpu.region"() ({
      %run_scoped3A = tpu.sem_alloc : memref<!tpu.dma_semaphore, #tpu.memory_space<semaphore_mem>>
      %dma_start3A_230 = tpu.memref_slice %arg6[%add3A_106, %mul3A_108] : memref<65536x256xf32, #tpu.memory_space<hbm>> -> memref<512x64xf32, #tpu.memory_space<hbm>>
      %dma_start3A_231 = tpu.memref_slice %arg6[%add3A_106, %mul3A_108] : memref<65536x256xf32, #tpu.memory_space<hbm>> -> memref<512x64xf32, #tpu.memory_space<hbm>>
      tpu.enqueue_dma source(%arg11 : memref<512x64xf32, #tpu.memory_space<vmem>>) target(%dma_start3A_231 : memref<512x64xf32, #tpu.memory_space<hbm>>) target_semaphore(%run_scoped3A : memref<!tpu.dma_semaphore, #tpu.memory_space<semaphore_mem>>)
      %dma_wait3A_232 = tpu.memref_slice %arg6[%add3A_106, %mul3A_108] : memref<65536x256xf32, #tpu.memory_space<hbm>> -> memref<512x64xf32, #tpu.memory_space<hbm>>
      %dma_wait3A_233 = tpu.memref_slice %arg6[%add3A_106, %mul3A_108] : memref<65536x256xf32, #tpu.memory_space<hbm>> -> memref<512x64xf32, #tpu.memory_space<hbm>>
      tpu.wait_dma2 semaphore(%run_scoped3A : memref<!tpu.dma_semaphore, #tpu.memory_space<semaphore_mem>>) src(%arg11 : memref<512x64xf32, #tpu.memory_space<vmem>>) dst(%dma_wait3A_233 : memref<512x64xf32, #tpu.memory_space<hbm>>)
      tpu.yield
    }) : () -> ()
    "tpu.region"() ({
      %run_scoped3A = tpu.sem_alloc : memref<!tpu.dma_semaphore, #tpu.memory_space<semaphore_mem>>
      %dma_start3A_230 = arith.constant 0 : i32
      %dma_start3A_231 = arith.constant 0 : i32
      %dma_start3A_232 = tpu.memref_slice %arg13[%dma_start3A_230, %dma_start3A_231] : memref<4096x16xf32, #tpu.memory_space<vmem_shared>> -> memref<4096x16xf32, #tpu.memory_space<vmem_shared>>
      tpu.enqueue_indirect_dma source(%arg12 : memref<512x16xf32, #tpu.memory_space<vmem>>) target(%dma_start3A_232 : memref<4096x16xf32, #tpu.memory_space<vmem_shared>>) offsets(%arg9 : memref<512xi32, #tpu.memory_space<vmem>>) semaphore(%run_scoped3A : memref<!tpu.dma_semaphore, #tpu.memory_space<semaphore_mem>>) {add = true}
      %dma_wait3A_233 = arith.constant 0 : i32
      %dma_wait3A_234 = arith.constant 0 : i32
      %dma_wait3A_235 = tpu.memref_slice %arg13[%dma_wait3A_233, %dma_wait3A_234] : memref<4096x16xf32, #tpu.memory_space<vmem_shared>> -> memref<4096x16xf32, #tpu.memory_space<vmem_shared>>
      tpu.wait_indirect_dma semaphore(%run_scoped3A : memref<!tpu.dma_semaphore, #tpu.memory_space<semaphore_mem>>) src(%arg12 : memref<512x16xf32, #tpu.memory_space<vmem>>) dst(%dma_wait3A_235 : memref<4096x16xf32, #tpu.memory_space<vmem_shared>>)
      tpu.yield
    }) : () -> ()
    %add3A_109 = arith.constant 3584 : i32
    %add3A_110 = arith.addi %mul3A_32, %add3A_109 : i32
    "tpu.region"() ({
      %run_scoped3A = tpu.sem_alloc : memref<!tpu.dma_semaphore, #tpu.memory_space<semaphore_mem>>
      %dma_start3A_230 = tpu.memref_slice %arg3[%select_n3A_9, %add3A_110] : memref<8x65536xi32, #tpu.memory_space<hbm>> -> memref<1x512xi32, #tpu.memory_space<hbm>>
      %dma_start3A_231 = tpu.memref_squeeze %dma_start3A_230 : memref<1x512xi32, #tpu.memory_space<hbm>> -> memref<512xi32, #tpu.memory_space<hbm>>
      %dma_start3A_232 = tpu.memref_slice %arg3[%select_n3A_9, %add3A_110] : memref<8x65536xi32, #tpu.memory_space<hbm>> -> memref<1x512xi32, #tpu.memory_space<hbm>>
      %dma_start3A_233 = tpu.memref_squeeze %dma_start3A_232 : memref<1x512xi32, #tpu.memory_space<hbm>> -> memref<512xi32, #tpu.memory_space<hbm>>
      tpu.enqueue_dma source(%dma_start3A_233 : memref<512xi32, #tpu.memory_space<hbm>>) target(%arg9 : memref<512xi32, #tpu.memory_space<vmem>>) target_semaphore(%run_scoped3A : memref<!tpu.dma_semaphore, #tpu.memory_space<semaphore_mem>>)
      %dma_wait3A_234 = tpu.memref_slice %arg3[%select_n3A_9, %add3A_110] : memref<8x65536xi32, #tpu.memory_space<hbm>> -> memref<1x512xi32, #tpu.memory_space<hbm>>
      %dma_wait3A_235 = tpu.memref_squeeze %dma_wait3A_234 : memref<1x512xi32, #tpu.memory_space<hbm>> -> memref<512xi32, #tpu.memory_space<hbm>>
      %dma_wait3A_236 = tpu.memref_slice %arg3[%select_n3A_9, %add3A_110] : memref<8x65536xi32, #tpu.memory_space<hbm>> -> memref<1x512xi32, #tpu.memory_space<hbm>>
      %dma_wait3A_237 = tpu.memref_squeeze %dma_wait3A_236 : memref<1x512xi32, #tpu.memory_space<hbm>> -> memref<512xi32, #tpu.memory_space<hbm>>
      tpu.wait_dma2 semaphore(%run_scoped3A : memref<!tpu.dma_semaphore, #tpu.memory_space<semaphore_mem>>) src(%dma_wait3A_237 : memref<512xi32, #tpu.memory_space<hbm>>) dst(%arg9 : memref<512xi32, #tpu.memory_space<vmem>>)
      tpu.yield
    }) : () -> ()
    %dma_start3A_111 = arith.constant 0 : i32
    %dma_start3A_112 = arith.constant 0 : i32
    %dma_start3A_113 = tpu.memref_slice %arg2[%dma_start3A_111, %dma_start3A_112] : memref<4096x64xf32, #tpu.memory_space<hbm>> -> memref<4096x64xf32, #tpu.memory_space<hbm>>
    tpu.enqueue_indirect_dma source(%dma_start3A_113 : memref<4096x64xf32, #tpu.memory_space<hbm>>) target(%arg11 : memref<512x64xf32, #tpu.memory_space<vmem>>) offsets(%arg9 : memref<512xi32, #tpu.memory_space<vmem>>) semaphore(%arg15 : memref<!tpu.dma_semaphore, #tpu.memory_space<semaphore_mem>>)
    %dma_wait3A_114 = arith.constant 0 : i32
    %dma_wait3A_115 = arith.constant 0 : i32
    %dma_wait3A_116 = tpu.memref_slice %arg2[%dma_wait3A_114, %dma_wait3A_115] : memref<4096x64xf32, #tpu.memory_space<hbm>> -> memref<4096x64xf32, #tpu.memory_space<hbm>>
    tpu.wait_indirect_dma semaphore(%arg14 : memref<!tpu.dma_semaphore, #tpu.memory_space<semaphore_mem>>) src(%dma_wait3A_116 : memref<4096x64xf32, #tpu.memory_space<hbm>>) dst(%arg10 : memref<512x64xf32, #tpu.memory_space<vmem>>)
    %add3A_117 = arith.constant 3072 : i32
    %add3A_118 = arith.addi %mul3A_32, %add3A_117 : i32
    %mul3A_119 = arith.constant 64 : i32
    %mul3A_120 = arith.muli %select_n3A_9, %mul3A_119 : i32
    "tpu.region"() ({
      %run_scoped3A = tpu.sem_alloc : memref<!tpu.dma_semaphore, #tpu.memory_space<semaphore_mem>>
      %dma_start3A_230 = tpu.memref_slice %arg6[%add3A_118, %mul3A_120] : memref<65536x256xf32, #tpu.memory_space<hbm>> -> memref<512x64xf32, #tpu.memory_space<hbm>>
      %dma_start3A_231 = tpu.memref_slice %arg6[%add3A_118, %mul3A_120] : memref<65536x256xf32, #tpu.memory_space<hbm>> -> memref<512x64xf32, #tpu.memory_space<hbm>>
      tpu.enqueue_dma source(%arg10 : memref<512x64xf32, #tpu.memory_space<vmem>>) target(%dma_start3A_231 : memref<512x64xf32, #tpu.memory_space<hbm>>) target_semaphore(%run_scoped3A : memref<!tpu.dma_semaphore, #tpu.memory_space<semaphore_mem>>)
      %dma_wait3A_232 = tpu.memref_slice %arg6[%add3A_118, %mul3A_120] : memref<65536x256xf32, #tpu.memory_space<hbm>> -> memref<512x64xf32, #tpu.memory_space<hbm>>
      %dma_wait3A_233 = tpu.memref_slice %arg6[%add3A_118, %mul3A_120] : memref<65536x256xf32, #tpu.memory_space<hbm>> -> memref<512x64xf32, #tpu.memory_space<hbm>>
      tpu.wait_dma2 semaphore(%run_scoped3A : memref<!tpu.dma_semaphore, #tpu.memory_space<semaphore_mem>>) src(%arg10 : memref<512x64xf32, #tpu.memory_space<vmem>>) dst(%dma_wait3A_233 : memref<512x64xf32, #tpu.memory_space<hbm>>)
      tpu.yield
    }) : () -> ()
    "tpu.region"() ({
      %run_scoped3A = tpu.sem_alloc : memref<!tpu.dma_semaphore, #tpu.memory_space<semaphore_mem>>
      %dma_start3A_230 = arith.constant 0 : i32
      %dma_start3A_231 = arith.constant 0 : i32
      %dma_start3A_232 = tpu.memref_slice %arg13[%dma_start3A_230, %dma_start3A_231] : memref<4096x16xf32, #tpu.memory_space<vmem_shared>> -> memref<4096x16xf32, #tpu.memory_space<vmem_shared>>
      tpu.enqueue_indirect_dma source(%arg12 : memref<512x16xf32, #tpu.memory_space<vmem>>) target(%dma_start3A_232 : memref<4096x16xf32, #tpu.memory_space<vmem_shared>>) offsets(%arg8 : memref<512xi32, #tpu.memory_space<vmem>>) semaphore(%run_scoped3A : memref<!tpu.dma_semaphore, #tpu.memory_space<semaphore_mem>>) {add = true}
      %dma_wait3A_233 = arith.constant 0 : i32
      %dma_wait3A_234 = arith.constant 0 : i32
      %dma_wait3A_235 = tpu.memref_slice %arg13[%dma_wait3A_233, %dma_wait3A_234] : memref<4096x16xf32, #tpu.memory_space<vmem_shared>> -> memref<4096x16xf32, #tpu.memory_space<vmem_shared>>
      tpu.wait_indirect_dma semaphore(%run_scoped3A : memref<!tpu.dma_semaphore, #tpu.memory_space<semaphore_mem>>) src(%arg12 : memref<512x16xf32, #tpu.memory_space<vmem>>) dst(%dma_wait3A_235 : memref<4096x16xf32, #tpu.memory_space<vmem_shared>>)
      tpu.yield
    }) : () -> ()
    %add3A_121 = arith.constant 4096 : i32
    %add3A_122 = arith.addi %mul3A_32, %add3A_121 : i32
    "tpu.region"() ({
      %run_scoped3A = tpu.sem_alloc : memref<!tpu.dma_semaphore, #tpu.memory_space<semaphore_mem>>
      %dma_start3A_230 = tpu.memref_slice %arg3[%select_n3A_9, %add3A_122] : memref<8x65536xi32, #tpu.memory_space<hbm>> -> memref<1x512xi32, #tpu.memory_space<hbm>>
      %dma_start3A_231 = tpu.memref_squeeze %dma_start3A_230 : memref<1x512xi32, #tpu.memory_space<hbm>> -> memref<512xi32, #tpu.memory_space<hbm>>
      %dma_start3A_232 = tpu.memref_slice %arg3[%select_n3A_9, %add3A_122] : memref<8x65536xi32, #tpu.memory_space<hbm>> -> memref<1x512xi32, #tpu.memory_space<hbm>>
      %dma_start3A_233 = tpu.memref_squeeze %dma_start3A_232 : memref<1x512xi32, #tpu.memory_space<hbm>> -> memref<512xi32, #tpu.memory_space<hbm>>
      tpu.enqueue_dma source(%dma_start3A_233 : memref<512xi32, #tpu.memory_space<hbm>>) target(%arg8 : memref<512xi32, #tpu.memory_space<vmem>>) target_semaphore(%run_scoped3A : memref<!tpu.dma_semaphore, #tpu.memory_space<semaphore_mem>>)
      %dma_wait3A_234 = tpu.memref_slice %arg3[%select_n3A_9, %add3A_122] : memref<8x65536xi32, #tpu.memory_space<hbm>> -> memref<1x512xi32, #tpu.memory_space<hbm>>
      %dma_wait3A_235 = tpu.memref_squeeze %dma_wait3A_234 : memref<1x512xi32, #tpu.memory_space<hbm>> -> memref<512xi32, #tpu.memory_space<hbm>>
      %dma_wait3A_236 = tpu.memref_slice %arg3[%select_n3A_9, %add3A_122] : memref<8x65536xi32, #tpu.memory_space<hbm>> -> memref<1x512xi32, #tpu.memory_space<hbm>>
      %dma_wait3A_237 = tpu.memref_squeeze %dma_wait3A_236 : memref<1x512xi32, #tpu.memory_space<hbm>> -> memref<512xi32, #tpu.memory_space<hbm>>
      tpu.wait_dma2 semaphore(%run_scoped3A : memref<!tpu.dma_semaphore, #tpu.memory_space<semaphore_mem>>) src(%dma_wait3A_237 : memref<512xi32, #tpu.memory_space<hbm>>) dst(%arg8 : memref<512xi32, #tpu.memory_space<vmem>>)
      tpu.yield
    }) : () -> ()
    %dma_start3A_123 = arith.constant 0 : i32
    %dma_start3A_124 = arith.constant 0 : i32
    %dma_start3A_125 = tpu.memref_slice %arg2[%dma_start3A_123, %dma_start3A_124] : memref<4096x64xf32, #tpu.memory_space<hbm>> -> memref<4096x64xf32, #tpu.memory_space<hbm>>
    tpu.enqueue_indirect_dma source(%dma_start3A_125 : memref<4096x64xf32, #tpu.memory_space<hbm>>) target(%arg10 : memref<512x64xf32, #tpu.memory_space<vmem>>) offsets(%arg8 : memref<512xi32, #tpu.memory_space<vmem>>) semaphore(%arg14 : memref<!tpu.dma_semaphore, #tpu.memory_space<semaphore_mem>>)
    %dma_wait3A_126 = arith.constant 0 : i32
    %dma_wait3A_127 = arith.constant 0 : i32
    %dma_wait3A_128 = tpu.memref_slice %arg2[%dma_wait3A_126, %dma_wait3A_127] : memref<4096x64xf32, #tpu.memory_space<hbm>> -> memref<4096x64xf32, #tpu.memory_space<hbm>>
    tpu.wait_indirect_dma semaphore(%arg15 : memref<!tpu.dma_semaphore, #tpu.memory_space<semaphore_mem>>) src(%dma_wait3A_128 : memref<4096x64xf32, #tpu.memory_space<hbm>>) dst(%arg11 : memref<512x64xf32, #tpu.memory_space<vmem>>)
    %add3A_129 = arith.constant 3584 : i32
    %add3A_130 = arith.addi %mul3A_32, %add3A_129 : i32
    %mul3A_131 = arith.constant 64 : i32
    %mul3A_132 = arith.muli %select_n3A_9, %mul3A_131 : i32
    "tpu.region"() ({
      %run_scoped3A = tpu.sem_alloc : memref<!tpu.dma_semaphore, #tpu.memory_space<semaphore_mem>>
      %dma_start3A_230 = tpu.memref_slice %arg6[%add3A_130, %mul3A_132] : memref<65536x256xf32, #tpu.memory_space<hbm>> -> memref<512x64xf32, #tpu.memory_space<hbm>>
      %dma_start3A_231 = tpu.memref_slice %arg6[%add3A_130, %mul3A_132] : memref<65536x256xf32, #tpu.memory_space<hbm>> -> memref<512x64xf32, #tpu.memory_space<hbm>>
      tpu.enqueue_dma source(%arg11 : memref<512x64xf32, #tpu.memory_space<vmem>>) target(%dma_start3A_231 : memref<512x64xf32, #tpu.memory_space<hbm>>) target_semaphore(%run_scoped3A : memref<!tpu.dma_semaphore, #tpu.memory_space<semaphore_mem>>)
      %dma_wait3A_232 = tpu.memref_slice %arg6[%add3A_130, %mul3A_132] : memref<65536x256xf32, #tpu.memory_space<hbm>> -> memref<512x64xf32, #tpu.memory_space<hbm>>
      %dma_wait3A_233 = tpu.memref_slice %arg6[%add3A_130, %mul3A_132] : memref<65536x256xf32, #tpu.memory_space<hbm>> -> memref<512x64xf32, #tpu.memory_space<hbm>>
      tpu.wait_dma2 semaphore(%run_scoped3A : memref<!tpu.dma_semaphore, #tpu.memory_space<semaphore_mem>>) src(%arg11 : memref<512x64xf32, #tpu.memory_space<vmem>>) dst(%dma_wait3A_233 : memref<512x64xf32, #tpu.memory_space<hbm>>)
      tpu.yield
    }) : () -> ()
    "tpu.region"() ({
      %run_scoped3A = tpu.sem_alloc : memref<!tpu.dma_semaphore, #tpu.memory_space<semaphore_mem>>
      %dma_start3A_230 = arith.constant 0 : i32
      %dma_start3A_231 = arith.constant 0 : i32
      %dma_start3A_232 = tpu.memref_slice %arg13[%dma_start3A_230, %dma_start3A_231] : memref<4096x16xf32, #tpu.memory_space<vmem_shared>> -> memref<4096x16xf32, #tpu.memory_space<vmem_shared>>
      tpu.enqueue_indirect_dma source(%arg12 : memref<512x16xf32, #tpu.memory_space<vmem>>) target(%dma_start3A_232 : memref<4096x16xf32, #tpu.memory_space<vmem_shared>>) offsets(%arg9 : memref<512xi32, #tpu.memory_space<vmem>>) semaphore(%run_scoped3A : memref<!tpu.dma_semaphore, #tpu.memory_space<semaphore_mem>>) {add = true}
      %dma_wait3A_233 = arith.constant 0 : i32
      %dma_wait3A_234 = arith.constant 0 : i32
      %dma_wait3A_235 = tpu.memref_slice %arg13[%dma_wait3A_233, %dma_wait3A_234] : memref<4096x16xf32, #tpu.memory_space<vmem_shared>> -> memref<4096x16xf32, #tpu.memory_space<vmem_shared>>
      tpu.wait_indirect_dma semaphore(%run_scoped3A : memref<!tpu.dma_semaphore, #tpu.memory_space<semaphore_mem>>) src(%arg12 : memref<512x16xf32, #tpu.memory_space<vmem>>) dst(%dma_wait3A_235 : memref<4096x16xf32, #tpu.memory_space<vmem_shared>>)
      tpu.yield
    }) : () -> ()
    %add3A_133 = arith.constant 4608 : i32
    %add3A_134 = arith.addi %mul3A_32, %add3A_133 : i32
    "tpu.region"() ({
      %run_scoped3A = tpu.sem_alloc : memref<!tpu.dma_semaphore, #tpu.memory_space<semaphore_mem>>
      %dma_start3A_230 = tpu.memref_slice %arg3[%select_n3A_9, %add3A_134] : memref<8x65536xi32, #tpu.memory_space<hbm>> -> memref<1x512xi32, #tpu.memory_space<hbm>>
      %dma_start3A_231 = tpu.memref_squeeze %dma_start3A_230 : memref<1x512xi32, #tpu.memory_space<hbm>> -> memref<512xi32, #tpu.memory_space<hbm>>
      %dma_start3A_232 = tpu.memref_slice %arg3[%select_n3A_9, %add3A_134] : memref<8x65536xi32, #tpu.memory_space<hbm>> -> memref<1x512xi32, #tpu.memory_space<hbm>>
      %dma_start3A_233 = tpu.memref_squeeze %dma_start3A_232 : memref<1x512xi32, #tpu.memory_space<hbm>> -> memref<512xi32, #tpu.memory_space<hbm>>
      tpu.enqueue_dma source(%dma_start3A_233 : memref<512xi32, #tpu.memory_space<hbm>>) target(%arg9 : memref<512xi32, #tpu.memory_space<vmem>>) target_semaphore(%run_scoped3A : memref<!tpu.dma_semaphore, #tpu.memory_space<semaphore_mem>>)
      %dma_wait3A_234 = tpu.memref_slice %arg3[%select_n3A_9, %add3A_134] : memref<8x65536xi32, #tpu.memory_space<hbm>> -> memref<1x512xi32, #tpu.memory_space<hbm>>
      %dma_wait3A_235 = tpu.memref_squeeze %dma_wait3A_234 : memref<1x512xi32, #tpu.memory_space<hbm>> -> memref<512xi32, #tpu.memory_space<hbm>>
      %dma_wait3A_236 = tpu.memref_slice %arg3[%select_n3A_9, %add3A_134] : memref<8x65536xi32, #tpu.memory_space<hbm>> -> memref<1x512xi32, #tpu.memory_space<hbm>>
      %dma_wait3A_237 = tpu.memref_squeeze %dma_wait3A_236 : memref<1x512xi32, #tpu.memory_space<hbm>> -> memref<512xi32, #tpu.memory_space<hbm>>
      tpu.wait_dma2 semaphore(%run_scoped3A : memref<!tpu.dma_semaphore, #tpu.memory_space<semaphore_mem>>) src(%dma_wait3A_237 : memref<512xi32, #tpu.memory_space<hbm>>) dst(%arg9 : memref<512xi32, #tpu.memory_space<vmem>>)
      tpu.yield
    }) : () -> ()
    %dma_start3A_135 = arith.constant 0 : i32
    %dma_start3A_136 = arith.constant 0 : i32
    %dma_start3A_137 = tpu.memref_slice %arg2[%dma_start3A_135, %dma_start3A_136] : memref<4096x64xf32, #tpu.memory_space<hbm>> -> memref<4096x64xf32, #tpu.memory_space<hbm>>
    tpu.enqueue_indirect_dma source(%dma_start3A_137 : memref<4096x64xf32, #tpu.memory_space<hbm>>) target(%arg11 : memref<512x64xf32, #tpu.memory_space<vmem>>) offsets(%arg9 : memref<512xi32, #tpu.memory_space<vmem>>) semaphore(%arg15 : memref<!tpu.dma_semaphore, #tpu.memory_space<semaphore_mem>>)
    %dma_wait3A_138 = arith.constant 0 : i32
    %dma_wait3A_139 = arith.constant 0 : i32
    %dma_wait3A_140 = tpu.memref_slice %arg2[%dma_wait3A_138, %dma_wait3A_139] : memref<4096x64xf32, #tpu.memory_space<hbm>> -> memref<4096x64xf32, #tpu.memory_space<hbm>>
    tpu.wait_indirect_dma semaphore(%arg14 : memref<!tpu.dma_semaphore, #tpu.memory_space<semaphore_mem>>) src(%dma_wait3A_140 : memref<4096x64xf32, #tpu.memory_space<hbm>>) dst(%arg10 : memref<512x64xf32, #tpu.memory_space<vmem>>)
    %add3A_141 = arith.constant 4096 : i32
    %add3A_142 = arith.addi %mul3A_32, %add3A_141 : i32
    %mul3A_143 = arith.constant 64 : i32
    %mul3A_144 = arith.muli %select_n3A_9, %mul3A_143 : i32
    "tpu.region"() ({
      %run_scoped3A = tpu.sem_alloc : memref<!tpu.dma_semaphore, #tpu.memory_space<semaphore_mem>>
      %dma_start3A_230 = tpu.memref_slice %arg6[%add3A_142, %mul3A_144] : memref<65536x256xf32, #tpu.memory_space<hbm>> -> memref<512x64xf32, #tpu.memory_space<hbm>>
      %dma_start3A_231 = tpu.memref_slice %arg6[%add3A_142, %mul3A_144] : memref<65536x256xf32, #tpu.memory_space<hbm>> -> memref<512x64xf32, #tpu.memory_space<hbm>>
      tpu.enqueue_dma source(%arg10 : memref<512x64xf32, #tpu.memory_space<vmem>>) target(%dma_start3A_231 : memref<512x64xf32, #tpu.memory_space<hbm>>) target_semaphore(%run_scoped3A : memref<!tpu.dma_semaphore, #tpu.memory_space<semaphore_mem>>)
      %dma_wait3A_232 = tpu.memref_slice %arg6[%add3A_142, %mul3A_144] : memref<65536x256xf32, #tpu.memory_space<hbm>> -> memref<512x64xf32, #tpu.memory_space<hbm>>
      %dma_wait3A_233 = tpu.memref_slice %arg6[%add3A_142, %mul3A_144] : memref<65536x256xf32, #tpu.memory_space<hbm>> -> memref<512x64xf32, #tpu.memory_space<hbm>>
      tpu.wait_dma2 semaphore(%run_scoped3A : memref<!tpu.dma_semaphore, #tpu.memory_space<semaphore_mem>>) src(%arg10 : memref<512x64xf32, #tpu.memory_space<vmem>>) dst(%dma_wait3A_233 : memref<512x64xf32, #tpu.memory_space<hbm>>)
      tpu.yield
    }) : () -> ()
    "tpu.region"() ({
      %run_scoped3A = tpu.sem_alloc : memref<!tpu.dma_semaphore, #tpu.memory_space<semaphore_mem>>
      %dma_start3A_230 = arith.constant 0 : i32
      %dma_start3A_231 = arith.constant 0 : i32
      %dma_start3A_232 = tpu.memref_slice %arg13[%dma_start3A_230, %dma_start3A_231] : memref<4096x16xf32, #tpu.memory_space<vmem_shared>> -> memref<4096x16xf32, #tpu.memory_space<vmem_shared>>
      tpu.enqueue_indirect_dma source(%arg12 : memref<512x16xf32, #tpu.memory_space<vmem>>) target(%dma_start3A_232 : memref<4096x16xf32, #tpu.memory_space<vmem_shared>>) offsets(%arg8 : memref<512xi32, #tpu.memory_space<vmem>>) semaphore(%run_scoped3A : memref<!tpu.dma_semaphore, #tpu.memory_space<semaphore_mem>>) {add = true}
      %dma_wait3A_233 = arith.constant 0 : i32
      %dma_wait3A_234 = arith.constant 0 : i32
      %dma_wait3A_235 = tpu.memref_slice %arg13[%dma_wait3A_233, %dma_wait3A_234] : memref<4096x16xf32, #tpu.memory_space<vmem_shared>> -> memref<4096x16xf32, #tpu.memory_space<vmem_shared>>
      tpu.wait_indirect_dma semaphore(%run_scoped3A : memref<!tpu.dma_semaphore, #tpu.memory_space<semaphore_mem>>) src(%arg12 : memref<512x16xf32, #tpu.memory_space<vmem>>) dst(%dma_wait3A_235 : memref<4096x16xf32, #tpu.memory_space<vmem_shared>>)
      tpu.yield
    }) : () -> ()
    %add3A_145 = arith.constant 5120 : i32
    %add3A_146 = arith.addi %mul3A_32, %add3A_145 : i32
    "tpu.region"() ({
      %run_scoped3A = tpu.sem_alloc : memref<!tpu.dma_semaphore, #tpu.memory_space<semaphore_mem>>
      %dma_start3A_230 = tpu.memref_slice %arg3[%select_n3A_9, %add3A_146] : memref<8x65536xi32, #tpu.memory_space<hbm>> -> memref<1x512xi32, #tpu.memory_space<hbm>>
      %dma_start3A_231 = tpu.memref_squeeze %dma_start3A_230 : memref<1x512xi32, #tpu.memory_space<hbm>> -> memref<512xi32, #tpu.memory_space<hbm>>
      %dma_start3A_232 = tpu.memref_slice %arg3[%select_n3A_9, %add3A_146] : memref<8x65536xi32, #tpu.memory_space<hbm>> -> memref<1x512xi32, #tpu.memory_space<hbm>>
      %dma_start3A_233 = tpu.memref_squeeze %dma_start3A_232 : memref<1x512xi32, #tpu.memory_space<hbm>> -> memref<512xi32, #tpu.memory_space<hbm>>
      tpu.enqueue_dma source(%dma_start3A_233 : memref<512xi32, #tpu.memory_space<hbm>>) target(%arg8 : memref<512xi32, #tpu.memory_space<vmem>>) target_semaphore(%run_scoped3A : memref<!tpu.dma_semaphore, #tpu.memory_space<semaphore_mem>>)
      %dma_wait3A_234 = tpu.memref_slice %arg3[%select_n3A_9, %add3A_146] : memref<8x65536xi32, #tpu.memory_space<hbm>> -> memref<1x512xi32, #tpu.memory_space<hbm>>
      %dma_wait3A_235 = tpu.memref_squeeze %dma_wait3A_234 : memref<1x512xi32, #tpu.memory_space<hbm>> -> memref<512xi32, #tpu.memory_space<hbm>>
      %dma_wait3A_236 = tpu.memref_slice %arg3[%select_n3A_9, %add3A_146] : memref<8x65536xi32, #tpu.memory_space<hbm>> -> memref<1x512xi32, #tpu.memory_space<hbm>>
      %dma_wait3A_237 = tpu.memref_squeeze %dma_wait3A_236 : memref<1x512xi32, #tpu.memory_space<hbm>> -> memref<512xi32, #tpu.memory_space<hbm>>
      tpu.wait_dma2 semaphore(%run_scoped3A : memref<!tpu.dma_semaphore, #tpu.memory_space<semaphore_mem>>) src(%dma_wait3A_237 : memref<512xi32, #tpu.memory_space<hbm>>) dst(%arg8 : memref<512xi32, #tpu.memory_space<vmem>>)
      tpu.yield
    }) : () -> ()
    %dma_start3A_147 = arith.constant 0 : i32
    %dma_start3A_148 = arith.constant 0 : i32
    %dma_start3A_149 = tpu.memref_slice %arg2[%dma_start3A_147, %dma_start3A_148] : memref<4096x64xf32, #tpu.memory_space<hbm>> -> memref<4096x64xf32, #tpu.memory_space<hbm>>
    tpu.enqueue_indirect_dma source(%dma_start3A_149 : memref<4096x64xf32, #tpu.memory_space<hbm>>) target(%arg10 : memref<512x64xf32, #tpu.memory_space<vmem>>) offsets(%arg8 : memref<512xi32, #tpu.memory_space<vmem>>) semaphore(%arg14 : memref<!tpu.dma_semaphore, #tpu.memory_space<semaphore_mem>>)
    %dma_wait3A_150 = arith.constant 0 : i32
    %dma_wait3A_151 = arith.constant 0 : i32
    %dma_wait3A_152 = tpu.memref_slice %arg2[%dma_wait3A_150, %dma_wait3A_151] : memref<4096x64xf32, #tpu.memory_space<hbm>> -> memref<4096x64xf32, #tpu.memory_space<hbm>>
    tpu.wait_indirect_dma semaphore(%arg15 : memref<!tpu.dma_semaphore, #tpu.memory_space<semaphore_mem>>) src(%dma_wait3A_152 : memref<4096x64xf32, #tpu.memory_space<hbm>>) dst(%arg11 : memref<512x64xf32, #tpu.memory_space<vmem>>)
    %add3A_153 = arith.constant 4608 : i32
    %add3A_154 = arith.addi %mul3A_32, %add3A_153 : i32
    %mul3A_155 = arith.constant 64 : i32
    %mul3A_156 = arith.muli %select_n3A_9, %mul3A_155 : i32
    "tpu.region"() ({
      %run_scoped3A = tpu.sem_alloc : memref<!tpu.dma_semaphore, #tpu.memory_space<semaphore_mem>>
      %dma_start3A_230 = tpu.memref_slice %arg6[%add3A_154, %mul3A_156] : memref<65536x256xf32, #tpu.memory_space<hbm>> -> memref<512x64xf32, #tpu.memory_space<hbm>>
      %dma_start3A_231 = tpu.memref_slice %arg6[%add3A_154, %mul3A_156] : memref<65536x256xf32, #tpu.memory_space<hbm>> -> memref<512x64xf32, #tpu.memory_space<hbm>>
      tpu.enqueue_dma source(%arg11 : memref<512x64xf32, #tpu.memory_space<vmem>>) target(%dma_start3A_231 : memref<512x64xf32, #tpu.memory_space<hbm>>) target_semaphore(%run_scoped3A : memref<!tpu.dma_semaphore, #tpu.memory_space<semaphore_mem>>)
      %dma_wait3A_232 = tpu.memref_slice %arg6[%add3A_154, %mul3A_156] : memref<65536x256xf32, #tpu.memory_space<hbm>> -> memref<512x64xf32, #tpu.memory_space<hbm>>
      %dma_wait3A_233 = tpu.memref_slice %arg6[%add3A_154, %mul3A_156] : memref<65536x256xf32, #tpu.memory_space<hbm>> -> memref<512x64xf32, #tpu.memory_space<hbm>>
      tpu.wait_dma2 semaphore(%run_scoped3A : memref<!tpu.dma_semaphore, #tpu.memory_space<semaphore_mem>>) src(%arg11 : memref<512x64xf32, #tpu.memory_space<vmem>>) dst(%dma_wait3A_233 : memref<512x64xf32, #tpu.memory_space<hbm>>)
      tpu.yield
    }) : () -> ()
    "tpu.region"() ({
      %run_scoped3A = tpu.sem_alloc : memref<!tpu.dma_semaphore, #tpu.memory_space<semaphore_mem>>
      %dma_start3A_230 = arith.constant 0 : i32
      %dma_start3A_231 = arith.constant 0 : i32
      %dma_start3A_232 = tpu.memref_slice %arg13[%dma_start3A_230, %dma_start3A_231] : memref<4096x16xf32, #tpu.memory_space<vmem_shared>> -> memref<4096x16xf32, #tpu.memory_space<vmem_shared>>
      tpu.enqueue_indirect_dma source(%arg12 : memref<512x16xf32, #tpu.memory_space<vmem>>) target(%dma_start3A_232 : memref<4096x16xf32, #tpu.memory_space<vmem_shared>>) offsets(%arg9 : memref<512xi32, #tpu.memory_space<vmem>>) semaphore(%run_scoped3A : memref<!tpu.dma_semaphore, #tpu.memory_space<semaphore_mem>>) {add = true}
      %dma_wait3A_233 = arith.constant 0 : i32
      %dma_wait3A_234 = arith.constant 0 : i32
      %dma_wait3A_235 = tpu.memref_slice %arg13[%dma_wait3A_233, %dma_wait3A_234] : memref<4096x16xf32, #tpu.memory_space<vmem_shared>> -> memref<4096x16xf32, #tpu.memory_space<vmem_shared>>
      tpu.wait_indirect_dma semaphore(%run_scoped3A : memref<!tpu.dma_semaphore, #tpu.memory_space<semaphore_mem>>) src(%arg12 : memref<512x16xf32, #tpu.memory_space<vmem>>) dst(%dma_wait3A_235 : memref<4096x16xf32, #tpu.memory_space<vmem_shared>>)
      tpu.yield
    }) : () -> ()
    %add3A_157 = arith.constant 5632 : i32
    %add3A_158 = arith.addi %mul3A_32, %add3A_157 : i32
    "tpu.region"() ({
      %run_scoped3A = tpu.sem_alloc : memref<!tpu.dma_semaphore, #tpu.memory_space<semaphore_mem>>
      %dma_start3A_230 = tpu.memref_slice %arg3[%select_n3A_9, %add3A_158] : memref<8x65536xi32, #tpu.memory_space<hbm>> -> memref<1x512xi32, #tpu.memory_space<hbm>>
      %dma_start3A_231 = tpu.memref_squeeze %dma_start3A_230 : memref<1x512xi32, #tpu.memory_space<hbm>> -> memref<512xi32, #tpu.memory_space<hbm>>
      %dma_start3A_232 = tpu.memref_slice %arg3[%select_n3A_9, %add3A_158] : memref<8x65536xi32, #tpu.memory_space<hbm>> -> memref<1x512xi32, #tpu.memory_space<hbm>>
      %dma_start3A_233 = tpu.memref_squeeze %dma_start3A_232 : memref<1x512xi32, #tpu.memory_space<hbm>> -> memref<512xi32, #tpu.memory_space<hbm>>
      tpu.enqueue_dma source(%dma_start3A_233 : memref<512xi32, #tpu.memory_space<hbm>>) target(%arg9 : memref<512xi32, #tpu.memory_space<vmem>>) target_semaphore(%run_scoped3A : memref<!tpu.dma_semaphore, #tpu.memory_space<semaphore_mem>>)
      %dma_wait3A_234 = tpu.memref_slice %arg3[%select_n3A_9, %add3A_158] : memref<8x65536xi32, #tpu.memory_space<hbm>> -> memref<1x512xi32, #tpu.memory_space<hbm>>
      %dma_wait3A_235 = tpu.memref_squeeze %dma_wait3A_234 : memref<1x512xi32, #tpu.memory_space<hbm>> -> memref<512xi32, #tpu.memory_space<hbm>>
      %dma_wait3A_236 = tpu.memref_slice %arg3[%select_n3A_9, %add3A_158] : memref<8x65536xi32, #tpu.memory_space<hbm>> -> memref<1x512xi32, #tpu.memory_space<hbm>>
      %dma_wait3A_237 = tpu.memref_squeeze %dma_wait3A_236 : memref<1x512xi32, #tpu.memory_space<hbm>> -> memref<512xi32, #tpu.memory_space<hbm>>
      tpu.wait_dma2 semaphore(%run_scoped3A : memref<!tpu.dma_semaphore, #tpu.memory_space<semaphore_mem>>) src(%dma_wait3A_237 : memref<512xi32, #tpu.memory_space<hbm>>) dst(%arg9 : memref<512xi32, #tpu.memory_space<vmem>>)
      tpu.yield
    }) : () -> ()
    %dma_start3A_159 = arith.constant 0 : i32
    %dma_start3A_160 = arith.constant 0 : i32
    %dma_start3A_161 = tpu.memref_slice %arg2[%dma_start3A_159, %dma_start3A_160] : memref<4096x64xf32, #tpu.memory_space<hbm>> -> memref<4096x64xf32, #tpu.memory_space<hbm>>
    tpu.enqueue_indirect_dma source(%dma_start3A_161 : memref<4096x64xf32, #tpu.memory_space<hbm>>) target(%arg11 : memref<512x64xf32, #tpu.memory_space<vmem>>) offsets(%arg9 : memref<512xi32, #tpu.memory_space<vmem>>) semaphore(%arg15 : memref<!tpu.dma_semaphore, #tpu.memory_space<semaphore_mem>>)
    %dma_wait3A_162 = arith.constant 0 : i32
    %dma_wait3A_163 = arith.constant 0 : i32
    %dma_wait3A_164 = tpu.memref_slice %arg2[%dma_wait3A_162, %dma_wait3A_163] : memref<4096x64xf32, #tpu.memory_space<hbm>> -> memref<4096x64xf32, #tpu.memory_space<hbm>>
    tpu.wait_indirect_dma semaphore(%arg14 : memref<!tpu.dma_semaphore, #tpu.memory_space<semaphore_mem>>) src(%dma_wait3A_164 : memref<4096x64xf32, #tpu.memory_space<hbm>>) dst(%arg10 : memref<512x64xf32, #tpu.memory_space<vmem>>)
    %add3A_165 = arith.constant 5120 : i32
    %add3A_166 = arith.addi %mul3A_32, %add3A_165 : i32
    %mul3A_167 = arith.constant 64 : i32
    %mul3A_168 = arith.muli %select_n3A_9, %mul3A_167 : i32
    "tpu.region"() ({
      %run_scoped3A = tpu.sem_alloc : memref<!tpu.dma_semaphore, #tpu.memory_space<semaphore_mem>>
      %dma_start3A_230 = tpu.memref_slice %arg6[%add3A_166, %mul3A_168] : memref<65536x256xf32, #tpu.memory_space<hbm>> -> memref<512x64xf32, #tpu.memory_space<hbm>>
      %dma_start3A_231 = tpu.memref_slice %arg6[%add3A_166, %mul3A_168] : memref<65536x256xf32, #tpu.memory_space<hbm>> -> memref<512x64xf32, #tpu.memory_space<hbm>>
      tpu.enqueue_dma source(%arg10 : memref<512x64xf32, #tpu.memory_space<vmem>>) target(%dma_start3A_231 : memref<512x64xf32, #tpu.memory_space<hbm>>) target_semaphore(%run_scoped3A : memref<!tpu.dma_semaphore, #tpu.memory_space<semaphore_mem>>)
      %dma_wait3A_232 = tpu.memref_slice %arg6[%add3A_166, %mul3A_168] : memref<65536x256xf32, #tpu.memory_space<hbm>> -> memref<512x64xf32, #tpu.memory_space<hbm>>
      %dma_wait3A_233 = tpu.memref_slice %arg6[%add3A_166, %mul3A_168] : memref<65536x256xf32, #tpu.memory_space<hbm>> -> memref<512x64xf32, #tpu.memory_space<hbm>>
      tpu.wait_dma2 semaphore(%run_scoped3A : memref<!tpu.dma_semaphore, #tpu.memory_space<semaphore_mem>>) src(%arg10 : memref<512x64xf32, #tpu.memory_space<vmem>>) dst(%dma_wait3A_233 : memref<512x64xf32, #tpu.memory_space<hbm>>)
      tpu.yield
    }) : () -> ()
    "tpu.region"() ({
      %run_scoped3A = tpu.sem_alloc : memref<!tpu.dma_semaphore, #tpu.memory_space<semaphore_mem>>
      %dma_start3A_230 = arith.constant 0 : i32
      %dma_start3A_231 = arith.constant 0 : i32
      %dma_start3A_232 = tpu.memref_slice %arg13[%dma_start3A_230, %dma_start3A_231] : memref<4096x16xf32, #tpu.memory_space<vmem_shared>> -> memref<4096x16xf32, #tpu.memory_space<vmem_shared>>
      tpu.enqueue_indirect_dma source(%arg12 : memref<512x16xf32, #tpu.memory_space<vmem>>) target(%dma_start3A_232 : memref<4096x16xf32, #tpu.memory_space<vmem_shared>>) offsets(%arg8 : memref<512xi32, #tpu.memory_space<vmem>>) semaphore(%run_scoped3A : memref<!tpu.dma_semaphore, #tpu.memory_space<semaphore_mem>>) {add = true}
      %dma_wait3A_233 = arith.constant 0 : i32
      %dma_wait3A_234 = arith.constant 0 : i32
      %dma_wait3A_235 = tpu.memref_slice %arg13[%dma_wait3A_233, %dma_wait3A_234] : memref<4096x16xf32, #tpu.memory_space<vmem_shared>> -> memref<4096x16xf32, #tpu.memory_space<vmem_shared>>
      tpu.wait_indirect_dma semaphore(%run_scoped3A : memref<!tpu.dma_semaphore, #tpu.memory_space<semaphore_mem>>) src(%arg12 : memref<512x16xf32, #tpu.memory_space<vmem>>) dst(%dma_wait3A_235 : memref<4096x16xf32, #tpu.memory_space<vmem_shared>>)
      tpu.yield
    }) : () -> ()
    %add3A_169 = arith.constant 6144 : i32
    %add3A_170 = arith.addi %mul3A_32, %add3A_169 : i32
    "tpu.region"() ({
      %run_scoped3A = tpu.sem_alloc : memref<!tpu.dma_semaphore, #tpu.memory_space<semaphore_mem>>
      %dma_start3A_230 = tpu.memref_slice %arg3[%select_n3A_9, %add3A_170] : memref<8x65536xi32, #tpu.memory_space<hbm>> -> memref<1x512xi32, #tpu.memory_space<hbm>>
      %dma_start3A_231 = tpu.memref_squeeze %dma_start3A_230 : memref<1x512xi32, #tpu.memory_space<hbm>> -> memref<512xi32, #tpu.memory_space<hbm>>
      %dma_start3A_232 = tpu.memref_slice %arg3[%select_n3A_9, %add3A_170] : memref<8x65536xi32, #tpu.memory_space<hbm>> -> memref<1x512xi32, #tpu.memory_space<hbm>>
      %dma_start3A_233 = tpu.memref_squeeze %dma_start3A_232 : memref<1x512xi32, #tpu.memory_space<hbm>> -> memref<512xi32, #tpu.memory_space<hbm>>
      tpu.enqueue_dma source(%dma_start3A_233 : memref<512xi32, #tpu.memory_space<hbm>>) target(%arg8 : memref<512xi32, #tpu.memory_space<vmem>>) target_semaphore(%run_scoped3A : memref<!tpu.dma_semaphore, #tpu.memory_space<semaphore_mem>>)
      %dma_wait3A_234 = tpu.memref_slice %arg3[%select_n3A_9, %add3A_170] : memref<8x65536xi32, #tpu.memory_space<hbm>> -> memref<1x512xi32, #tpu.memory_space<hbm>>
      %dma_wait3A_235 = tpu.memref_squeeze %dma_wait3A_234 : memref<1x512xi32, #tpu.memory_space<hbm>> -> memref<512xi32, #tpu.memory_space<hbm>>
      %dma_wait3A_236 = tpu.memref_slice %arg3[%select_n3A_9, %add3A_170] : memref<8x65536xi32, #tpu.memory_space<hbm>> -> memref<1x512xi32, #tpu.memory_space<hbm>>
      %dma_wait3A_237 = tpu.memref_squeeze %dma_wait3A_236 : memref<1x512xi32, #tpu.memory_space<hbm>> -> memref<512xi32, #tpu.memory_space<hbm>>
      tpu.wait_dma2 semaphore(%run_scoped3A : memref<!tpu.dma_semaphore, #tpu.memory_space<semaphore_mem>>) src(%dma_wait3A_237 : memref<512xi32, #tpu.memory_space<hbm>>) dst(%arg8 : memref<512xi32, #tpu.memory_space<vmem>>)
      tpu.yield
    }) : () -> ()
    %dma_start3A_171 = arith.constant 0 : i32
    %dma_start3A_172 = arith.constant 0 : i32
    %dma_start3A_173 = tpu.memref_slice %arg2[%dma_start3A_171, %dma_start3A_172] : memref<4096x64xf32, #tpu.memory_space<hbm>> -> memref<4096x64xf32, #tpu.memory_space<hbm>>
    tpu.enqueue_indirect_dma source(%dma_start3A_173 : memref<4096x64xf32, #tpu.memory_space<hbm>>) target(%arg10 : memref<512x64xf32, #tpu.memory_space<vmem>>) offsets(%arg8 : memref<512xi32, #tpu.memory_space<vmem>>) semaphore(%arg14 : memref<!tpu.dma_semaphore, #tpu.memory_space<semaphore_mem>>)
    %dma_wait3A_174 = arith.constant 0 : i32
    %dma_wait3A_175 = arith.constant 0 : i32
    %dma_wait3A_176 = tpu.memref_slice %arg2[%dma_wait3A_174, %dma_wait3A_175] : memref<4096x64xf32, #tpu.memory_space<hbm>> -> memref<4096x64xf32, #tpu.memory_space<hbm>>
    tpu.wait_indirect_dma semaphore(%arg15 : memref<!tpu.dma_semaphore, #tpu.memory_space<semaphore_mem>>) src(%dma_wait3A_176 : memref<4096x64xf32, #tpu.memory_space<hbm>>) dst(%arg11 : memref<512x64xf32, #tpu.memory_space<vmem>>)
    %add3A_177 = arith.constant 5632 : i32
    %add3A_178 = arith.addi %mul3A_32, %add3A_177 : i32
    %mul3A_179 = arith.constant 64 : i32
    %mul3A_180 = arith.muli %select_n3A_9, %mul3A_179 : i32
    "tpu.region"() ({
      %run_scoped3A = tpu.sem_alloc : memref<!tpu.dma_semaphore, #tpu.memory_space<semaphore_mem>>
      %dma_start3A_230 = tpu.memref_slice %arg6[%add3A_178, %mul3A_180] : memref<65536x256xf32, #tpu.memory_space<hbm>> -> memref<512x64xf32, #tpu.memory_space<hbm>>
      %dma_start3A_231 = tpu.memref_slice %arg6[%add3A_178, %mul3A_180] : memref<65536x256xf32, #tpu.memory_space<hbm>> -> memref<512x64xf32, #tpu.memory_space<hbm>>
      tpu.enqueue_dma source(%arg11 : memref<512x64xf32, #tpu.memory_space<vmem>>) target(%dma_start3A_231 : memref<512x64xf32, #tpu.memory_space<hbm>>) target_semaphore(%run_scoped3A : memref<!tpu.dma_semaphore, #tpu.memory_space<semaphore_mem>>)
      %dma_wait3A_232 = tpu.memref_slice %arg6[%add3A_178, %mul3A_180] : memref<65536x256xf32, #tpu.memory_space<hbm>> -> memref<512x64xf32, #tpu.memory_space<hbm>>
      %dma_wait3A_233 = tpu.memref_slice %arg6[%add3A_178, %mul3A_180] : memref<65536x256xf32, #tpu.memory_space<hbm>> -> memref<512x64xf32, #tpu.memory_space<hbm>>
      tpu.wait_dma2 semaphore(%run_scoped3A : memref<!tpu.dma_semaphore, #tpu.memory_space<semaphore_mem>>) src(%arg11 : memref<512x64xf32, #tpu.memory_space<vmem>>) dst(%dma_wait3A_233 : memref<512x64xf32, #tpu.memory_space<hbm>>)
      tpu.yield
    }) : () -> ()
    "tpu.region"() ({
      %run_scoped3A = tpu.sem_alloc : memref<!tpu.dma_semaphore, #tpu.memory_space<semaphore_mem>>
      %dma_start3A_230 = arith.constant 0 : i32
      %dma_start3A_231 = arith.constant 0 : i32
      %dma_start3A_232 = tpu.memref_slice %arg13[%dma_start3A_230, %dma_start3A_231] : memref<4096x16xf32, #tpu.memory_space<vmem_shared>> -> memref<4096x16xf32, #tpu.memory_space<vmem_shared>>
      tpu.enqueue_indirect_dma source(%arg12 : memref<512x16xf32, #tpu.memory_space<vmem>>) target(%dma_start3A_232 : memref<4096x16xf32, #tpu.memory_space<vmem_shared>>) offsets(%arg9 : memref<512xi32, #tpu.memory_space<vmem>>) semaphore(%run_scoped3A : memref<!tpu.dma_semaphore, #tpu.memory_space<semaphore_mem>>) {add = true}
      %dma_wait3A_233 = arith.constant 0 : i32
      %dma_wait3A_234 = arith.constant 0 : i32
      %dma_wait3A_235 = tpu.memref_slice %arg13[%dma_wait3A_233, %dma_wait3A_234] : memref<4096x16xf32, #tpu.memory_space<vmem_shared>> -> memref<4096x16xf32, #tpu.memory_space<vmem_shared>>
      tpu.wait_indirect_dma semaphore(%run_scoped3A : memref<!tpu.dma_semaphore, #tpu.memory_space<semaphore_mem>>) src(%arg12 : memref<512x16xf32, #tpu.memory_space<vmem>>) dst(%dma_wait3A_235 : memref<4096x16xf32, #tpu.memory_space<vmem_shared>>)
      tpu.yield
    }) : () -> ()
    %add3A_181 = arith.constant 6656 : i32
    %add3A_182 = arith.addi %mul3A_32, %add3A_181 : i32
    "tpu.region"() ({
      %run_scoped3A = tpu.sem_alloc : memref<!tpu.dma_semaphore, #tpu.memory_space<semaphore_mem>>
      %dma_start3A_230 = tpu.memref_slice %arg3[%select_n3A_9, %add3A_182] : memref<8x65536xi32, #tpu.memory_space<hbm>> -> memref<1x512xi32, #tpu.memory_space<hbm>>
      %dma_start3A_231 = tpu.memref_squeeze %dma_start3A_230 : memref<1x512xi32, #tpu.memory_space<hbm>> -> memref<512xi32, #tpu.memory_space<hbm>>
      %dma_start3A_232 = tpu.memref_slice %arg3[%select_n3A_9, %add3A_182] : memref<8x65536xi32, #tpu.memory_space<hbm>> -> memref<1x512xi32, #tpu.memory_space<hbm>>
      %dma_start3A_233 = tpu.memref_squeeze %dma_start3A_232 : memref<1x512xi32, #tpu.memory_space<hbm>> -> memref<512xi32, #tpu.memory_space<hbm>>
      tpu.enqueue_dma source(%dma_start3A_233 : memref<512xi32, #tpu.memory_space<hbm>>) target(%arg9 : memref<512xi32, #tpu.memory_space<vmem>>) target_semaphore(%run_scoped3A : memref<!tpu.dma_semaphore, #tpu.memory_space<semaphore_mem>>)
      %dma_wait3A_234 = tpu.memref_slice %arg3[%select_n3A_9, %add3A_182] : memref<8x65536xi32, #tpu.memory_space<hbm>> -> memref<1x512xi32, #tpu.memory_space<hbm>>
      %dma_wait3A_235 = tpu.memref_squeeze %dma_wait3A_234 : memref<1x512xi32, #tpu.memory_space<hbm>> -> memref<512xi32, #tpu.memory_space<hbm>>
      %dma_wait3A_236 = tpu.memref_slice %arg3[%select_n3A_9, %add3A_182] : memref<8x65536xi32, #tpu.memory_space<hbm>> -> memref<1x512xi32, #tpu.memory_space<hbm>>
      %dma_wait3A_237 = tpu.memref_squeeze %dma_wait3A_236 : memref<1x512xi32, #tpu.memory_space<hbm>> -> memref<512xi32, #tpu.memory_space<hbm>>
      tpu.wait_dma2 semaphore(%run_scoped3A : memref<!tpu.dma_semaphore, #tpu.memory_space<semaphore_mem>>) src(%dma_wait3A_237 : memref<512xi32, #tpu.memory_space<hbm>>) dst(%arg9 : memref<512xi32, #tpu.memory_space<vmem>>)
      tpu.yield
    }) : () -> ()
    %dma_start3A_183 = arith.constant 0 : i32
    %dma_start3A_184 = arith.constant 0 : i32
    %dma_start3A_185 = tpu.memref_slice %arg2[%dma_start3A_183, %dma_start3A_184] : memref<4096x64xf32, #tpu.memory_space<hbm>> -> memref<4096x64xf32, #tpu.memory_space<hbm>>
    tpu.enqueue_indirect_dma source(%dma_start3A_185 : memref<4096x64xf32, #tpu.memory_space<hbm>>) target(%arg11 : memref<512x64xf32, #tpu.memory_space<vmem>>) offsets(%arg9 : memref<512xi32, #tpu.memory_space<vmem>>) semaphore(%arg15 : memref<!tpu.dma_semaphore, #tpu.memory_space<semaphore_mem>>)
    %dma_wait3A_186 = arith.constant 0 : i32
    %dma_wait3A_187 = arith.constant 0 : i32
    %dma_wait3A_188 = tpu.memref_slice %arg2[%dma_wait3A_186, %dma_wait3A_187] : memref<4096x64xf32, #tpu.memory_space<hbm>> -> memref<4096x64xf32, #tpu.memory_space<hbm>>
    tpu.wait_indirect_dma semaphore(%arg14 : memref<!tpu.dma_semaphore, #tpu.memory_space<semaphore_mem>>) src(%dma_wait3A_188 : memref<4096x64xf32, #tpu.memory_space<hbm>>) dst(%arg10 : memref<512x64xf32, #tpu.memory_space<vmem>>)
    %add3A_189 = arith.constant 6144 : i32
    %add3A_190 = arith.addi %mul3A_32, %add3A_189 : i32
    %mul3A_191 = arith.constant 64 : i32
    %mul3A_192 = arith.muli %select_n3A_9, %mul3A_191 : i32
    "tpu.region"() ({
      %run_scoped3A = tpu.sem_alloc : memref<!tpu.dma_semaphore, #tpu.memory_space<semaphore_mem>>
      %dma_start3A_230 = tpu.memref_slice %arg6[%add3A_190, %mul3A_192] : memref<65536x256xf32, #tpu.memory_space<hbm>> -> memref<512x64xf32, #tpu.memory_space<hbm>>
      %dma_start3A_231 = tpu.memref_slice %arg6[%add3A_190, %mul3A_192] : memref<65536x256xf32, #tpu.memory_space<hbm>> -> memref<512x64xf32, #tpu.memory_space<hbm>>
      tpu.enqueue_dma source(%arg10 : memref<512x64xf32, #tpu.memory_space<vmem>>) target(%dma_start3A_231 : memref<512x64xf32, #tpu.memory_space<hbm>>) target_semaphore(%run_scoped3A : memref<!tpu.dma_semaphore, #tpu.memory_space<semaphore_mem>>)
      %dma_wait3A_232 = tpu.memref_slice %arg6[%add3A_190, %mul3A_192] : memref<65536x256xf32, #tpu.memory_space<hbm>> -> memref<512x64xf32, #tpu.memory_space<hbm>>
      %dma_wait3A_233 = tpu.memref_slice %arg6[%add3A_190, %mul3A_192] : memref<65536x256xf32, #tpu.memory_space<hbm>> -> memref<512x64xf32, #tpu.memory_space<hbm>>
      tpu.wait_dma2 semaphore(%run_scoped3A : memref<!tpu.dma_semaphore, #tpu.memory_space<semaphore_mem>>) src(%arg10 : memref<512x64xf32, #tpu.memory_space<vmem>>) dst(%dma_wait3A_233 : memref<512x64xf32, #tpu.memory_space<hbm>>)
      tpu.yield
    }) : () -> ()
    "tpu.region"() ({
      %run_scoped3A = tpu.sem_alloc : memref<!tpu.dma_semaphore, #tpu.memory_space<semaphore_mem>>
      %dma_start3A_230 = arith.constant 0 : i32
      %dma_start3A_231 = arith.constant 0 : i32
      %dma_start3A_232 = tpu.memref_slice %arg13[%dma_start3A_230, %dma_start3A_231] : memref<4096x16xf32, #tpu.memory_space<vmem_shared>> -> memref<4096x16xf32, #tpu.memory_space<vmem_shared>>
      tpu.enqueue_indirect_dma source(%arg12 : memref<512x16xf32, #tpu.memory_space<vmem>>) target(%dma_start3A_232 : memref<4096x16xf32, #tpu.memory_space<vmem_shared>>) offsets(%arg8 : memref<512xi32, #tpu.memory_space<vmem>>) semaphore(%run_scoped3A : memref<!tpu.dma_semaphore, #tpu.memory_space<semaphore_mem>>) {add = true}
      %dma_wait3A_233 = arith.constant 0 : i32
      %dma_wait3A_234 = arith.constant 0 : i32
      %dma_wait3A_235 = tpu.memref_slice %arg13[%dma_wait3A_233, %dma_wait3A_234] : memref<4096x16xf32, #tpu.memory_space<vmem_shared>> -> memref<4096x16xf32, #tpu.memory_space<vmem_shared>>
      tpu.wait_indirect_dma semaphore(%run_scoped3A : memref<!tpu.dma_semaphore, #tpu.memory_space<semaphore_mem>>) src(%arg12 : memref<512x16xf32, #tpu.memory_space<vmem>>) dst(%dma_wait3A_235 : memref<4096x16xf32, #tpu.memory_space<vmem_shared>>)
      tpu.yield
    }) : () -> ()
    %add3A_193 = arith.constant 7168 : i32
    %add3A_194 = arith.addi %mul3A_32, %add3A_193 : i32
    "tpu.region"() ({
      %run_scoped3A = tpu.sem_alloc : memref<!tpu.dma_semaphore, #tpu.memory_space<semaphore_mem>>
      %dma_start3A_230 = tpu.memref_slice %arg3[%select_n3A_9, %add3A_194] : memref<8x65536xi32, #tpu.memory_space<hbm>> -> memref<1x512xi32, #tpu.memory_space<hbm>>
      %dma_start3A_231 = tpu.memref_squeeze %dma_start3A_230 : memref<1x512xi32, #tpu.memory_space<hbm>> -> memref<512xi32, #tpu.memory_space<hbm>>
      %dma_start3A_232 = tpu.memref_slice %arg3[%select_n3A_9, %add3A_194] : memref<8x65536xi32, #tpu.memory_space<hbm>> -> memref<1x512xi32, #tpu.memory_space<hbm>>
      %dma_start3A_233 = tpu.memref_squeeze %dma_start3A_232 : memref<1x512xi32, #tpu.memory_space<hbm>> -> memref<512xi32, #tpu.memory_space<hbm>>
      tpu.enqueue_dma source(%dma_start3A_233 : memref<512xi32, #tpu.memory_space<hbm>>) target(%arg8 : memref<512xi32, #tpu.memory_space<vmem>>) target_semaphore(%run_scoped3A : memref<!tpu.dma_semaphore, #tpu.memory_space<semaphore_mem>>)
      %dma_wait3A_234 = tpu.memref_slice %arg3[%select_n3A_9, %add3A_194] : memref<8x65536xi32, #tpu.memory_space<hbm>> -> memref<1x512xi32, #tpu.memory_space<hbm>>
      %dma_wait3A_235 = tpu.memref_squeeze %dma_wait3A_234 : memref<1x512xi32, #tpu.memory_space<hbm>> -> memref<512xi32, #tpu.memory_space<hbm>>
      %dma_wait3A_236 = tpu.memref_slice %arg3[%select_n3A_9, %add3A_194] : memref<8x65536xi32, #tpu.memory_space<hbm>> -> memref<1x512xi32, #tpu.memory_space<hbm>>
      %dma_wait3A_237 = tpu.memref_squeeze %dma_wait3A_236 : memref<1x512xi32, #tpu.memory_space<hbm>> -> memref<512xi32, #tpu.memory_space<hbm>>
      tpu.wait_dma2 semaphore(%run_scoped3A : memref<!tpu.dma_semaphore, #tpu.memory_space<semaphore_mem>>) src(%dma_wait3A_237 : memref<512xi32, #tpu.memory_space<hbm>>) dst(%arg8 : memref<512xi32, #tpu.memory_space<vmem>>)
      tpu.yield
    }) : () -> ()
    %dma_start3A_195 = arith.constant 0 : i32
    %dma_start3A_196 = arith.constant 0 : i32
    %dma_start3A_197 = tpu.memref_slice %arg2[%dma_start3A_195, %dma_start3A_196] : memref<4096x64xf32, #tpu.memory_space<hbm>> -> memref<4096x64xf32, #tpu.memory_space<hbm>>
    tpu.enqueue_indirect_dma source(%dma_start3A_197 : memref<4096x64xf32, #tpu.memory_space<hbm>>) target(%arg10 : memref<512x64xf32, #tpu.memory_space<vmem>>) offsets(%arg8 : memref<512xi32, #tpu.memory_space<vmem>>) semaphore(%arg14 : memref<!tpu.dma_semaphore, #tpu.memory_space<semaphore_mem>>)
    %dma_wait3A_198 = arith.constant 0 : i32
    %dma_wait3A_199 = arith.constant 0 : i32
    %dma_wait3A_200 = tpu.memref_slice %arg2[%dma_wait3A_198, %dma_wait3A_199] : memref<4096x64xf32, #tpu.memory_space<hbm>> -> memref<4096x64xf32, #tpu.memory_space<hbm>>
    tpu.wait_indirect_dma semaphore(%arg15 : memref<!tpu.dma_semaphore, #tpu.memory_space<semaphore_mem>>) src(%dma_wait3A_200 : memref<4096x64xf32, #tpu.memory_space<hbm>>) dst(%arg11 : memref<512x64xf32, #tpu.memory_space<vmem>>)
    %add3A_201 = arith.constant 6656 : i32
    %add3A_202 = arith.addi %mul3A_32, %add3A_201 : i32
    %mul3A_203 = arith.constant 64 : i32
    %mul3A_204 = arith.muli %select_n3A_9, %mul3A_203 : i32
    "tpu.region"() ({
      %run_scoped3A = tpu.sem_alloc : memref<!tpu.dma_semaphore, #tpu.memory_space<semaphore_mem>>
      %dma_start3A_230 = tpu.memref_slice %arg6[%add3A_202, %mul3A_204] : memref<65536x256xf32, #tpu.memory_space<hbm>> -> memref<512x64xf32, #tpu.memory_space<hbm>>
      %dma_start3A_231 = tpu.memref_slice %arg6[%add3A_202, %mul3A_204] : memref<65536x256xf32, #tpu.memory_space<hbm>> -> memref<512x64xf32, #tpu.memory_space<hbm>>
      tpu.enqueue_dma source(%arg11 : memref<512x64xf32, #tpu.memory_space<vmem>>) target(%dma_start3A_231 : memref<512x64xf32, #tpu.memory_space<hbm>>) target_semaphore(%run_scoped3A : memref<!tpu.dma_semaphore, #tpu.memory_space<semaphore_mem>>)
      %dma_wait3A_232 = tpu.memref_slice %arg6[%add3A_202, %mul3A_204] : memref<65536x256xf32, #tpu.memory_space<hbm>> -> memref<512x64xf32, #tpu.memory_space<hbm>>
      %dma_wait3A_233 = tpu.memref_slice %arg6[%add3A_202, %mul3A_204] : memref<65536x256xf32, #tpu.memory_space<hbm>> -> memref<512x64xf32, #tpu.memory_space<hbm>>
      tpu.wait_dma2 semaphore(%run_scoped3A : memref<!tpu.dma_semaphore, #tpu.memory_space<semaphore_mem>>) src(%arg11 : memref<512x64xf32, #tpu.memory_space<vmem>>) dst(%dma_wait3A_233 : memref<512x64xf32, #tpu.memory_space<hbm>>)
      tpu.yield
    }) : () -> ()
    "tpu.region"() ({
      %run_scoped3A = tpu.sem_alloc : memref<!tpu.dma_semaphore, #tpu.memory_space<semaphore_mem>>
      %dma_start3A_230 = arith.constant 0 : i32
      %dma_start3A_231 = arith.constant 0 : i32
      %dma_start3A_232 = tpu.memref_slice %arg13[%dma_start3A_230, %dma_start3A_231] : memref<4096x16xf32, #tpu.memory_space<vmem_shared>> -> memref<4096x16xf32, #tpu.memory_space<vmem_shared>>
      tpu.enqueue_indirect_dma source(%arg12 : memref<512x16xf32, #tpu.memory_space<vmem>>) target(%dma_start3A_232 : memref<4096x16xf32, #tpu.memory_space<vmem_shared>>) offsets(%arg9 : memref<512xi32, #tpu.memory_space<vmem>>) semaphore(%run_scoped3A : memref<!tpu.dma_semaphore, #tpu.memory_space<semaphore_mem>>) {add = true}
      %dma_wait3A_233 = arith.constant 0 : i32
      %dma_wait3A_234 = arith.constant 0 : i32
      %dma_wait3A_235 = tpu.memref_slice %arg13[%dma_wait3A_233, %dma_wait3A_234] : memref<4096x16xf32, #tpu.memory_space<vmem_shared>> -> memref<4096x16xf32, #tpu.memory_space<vmem_shared>>
      tpu.wait_indirect_dma semaphore(%run_scoped3A : memref<!tpu.dma_semaphore, #tpu.memory_space<semaphore_mem>>) src(%arg12 : memref<512x16xf32, #tpu.memory_space<vmem>>) dst(%dma_wait3A_235 : memref<4096x16xf32, #tpu.memory_space<vmem_shared>>)
      tpu.yield
    }) : () -> ()
    %add3A_205 = arith.constant 7680 : i32
    %add3A_206 = arith.addi %mul3A_32, %add3A_205 : i32
    "tpu.region"() ({
      %run_scoped3A = tpu.sem_alloc : memref<!tpu.dma_semaphore, #tpu.memory_space<semaphore_mem>>
      %dma_start3A_230 = tpu.memref_slice %arg3[%select_n3A_9, %add3A_206] : memref<8x65536xi32, #tpu.memory_space<hbm>> -> memref<1x512xi32, #tpu.memory_space<hbm>>
      %dma_start3A_231 = tpu.memref_squeeze %dma_start3A_230 : memref<1x512xi32, #tpu.memory_space<hbm>> -> memref<512xi32, #tpu.memory_space<hbm>>
      %dma_start3A_232 = tpu.memref_slice %arg3[%select_n3A_9, %add3A_206] : memref<8x65536xi32, #tpu.memory_space<hbm>> -> memref<1x512xi32, #tpu.memory_space<hbm>>
      %dma_start3A_233 = tpu.memref_squeeze %dma_start3A_232 : memref<1x512xi32, #tpu.memory_space<hbm>> -> memref<512xi32, #tpu.memory_space<hbm>>
      tpu.enqueue_dma source(%dma_start3A_233 : memref<512xi32, #tpu.memory_space<hbm>>) target(%arg9 : memref<512xi32, #tpu.memory_space<vmem>>) target_semaphore(%run_scoped3A : memref<!tpu.dma_semaphore, #tpu.memory_space<semaphore_mem>>)
      %dma_wait3A_234 = tpu.memref_slice %arg3[%select_n3A_9, %add3A_206] : memref<8x65536xi32, #tpu.memory_space<hbm>> -> memref<1x512xi32, #tpu.memory_space<hbm>>
      %dma_wait3A_235 = tpu.memref_squeeze %dma_wait3A_234 : memref<1x512xi32, #tpu.memory_space<hbm>> -> memref<512xi32, #tpu.memory_space<hbm>>
      %dma_wait3A_236 = tpu.memref_slice %arg3[%select_n3A_9, %add3A_206] : memref<8x65536xi32, #tpu.memory_space<hbm>> -> memref<1x512xi32, #tpu.memory_space<hbm>>
      %dma_wait3A_237 = tpu.memref_squeeze %dma_wait3A_236 : memref<1x512xi32, #tpu.memory_space<hbm>> -> memref<512xi32, #tpu.memory_space<hbm>>
      tpu.wait_dma2 semaphore(%run_scoped3A : memref<!tpu.dma_semaphore, #tpu.memory_space<semaphore_mem>>) src(%dma_wait3A_237 : memref<512xi32, #tpu.memory_space<hbm>>) dst(%arg9 : memref<512xi32, #tpu.memory_space<vmem>>)
      tpu.yield
    }) : () -> ()
    %dma_start3A_207 = arith.constant 0 : i32
    %dma_start3A_208 = arith.constant 0 : i32
    %dma_start3A_209 = tpu.memref_slice %arg2[%dma_start3A_207, %dma_start3A_208] : memref<4096x64xf32, #tpu.memory_space<hbm>> -> memref<4096x64xf32, #tpu.memory_space<hbm>>
    tpu.enqueue_indirect_dma source(%dma_start3A_209 : memref<4096x64xf32, #tpu.memory_space<hbm>>) target(%arg11 : memref<512x64xf32, #tpu.memory_space<vmem>>) offsets(%arg9 : memref<512xi32, #tpu.memory_space<vmem>>) semaphore(%arg15 : memref<!tpu.dma_semaphore, #tpu.memory_space<semaphore_mem>>)
    %dma_wait3A_210 = arith.constant 0 : i32
    %dma_wait3A_211 = arith.constant 0 : i32
    %dma_wait3A_212 = tpu.memref_slice %arg2[%dma_wait3A_210, %dma_wait3A_211] : memref<4096x64xf32, #tpu.memory_space<hbm>> -> memref<4096x64xf32, #tpu.memory_space<hbm>>
    tpu.wait_indirect_dma semaphore(%arg14 : memref<!tpu.dma_semaphore, #tpu.memory_space<semaphore_mem>>) src(%dma_wait3A_212 : memref<4096x64xf32, #tpu.memory_space<hbm>>) dst(%arg10 : memref<512x64xf32, #tpu.memory_space<vmem>>)
    %add3A_213 = arith.constant 7168 : i32
    %add3A_214 = arith.addi %mul3A_32, %add3A_213 : i32
    %mul3A_215 = arith.constant 64 : i32
    %mul3A_216 = arith.muli %select_n3A_9, %mul3A_215 : i32
    "tpu.region"() ({
      %run_scoped3A = tpu.sem_alloc : memref<!tpu.dma_semaphore, #tpu.memory_space<semaphore_mem>>
      %dma_start3A_230 = tpu.memref_slice %arg6[%add3A_214, %mul3A_216] : memref<65536x256xf32, #tpu.memory_space<hbm>> -> memref<512x64xf32, #tpu.memory_space<hbm>>
      %dma_start3A_231 = tpu.memref_slice %arg6[%add3A_214, %mul3A_216] : memref<65536x256xf32, #tpu.memory_space<hbm>> -> memref<512x64xf32, #tpu.memory_space<hbm>>
      tpu.enqueue_dma source(%arg10 : memref<512x64xf32, #tpu.memory_space<vmem>>) target(%dma_start3A_231 : memref<512x64xf32, #tpu.memory_space<hbm>>) target_semaphore(%run_scoped3A : memref<!tpu.dma_semaphore, #tpu.memory_space<semaphore_mem>>)
      %dma_wait3A_232 = tpu.memref_slice %arg6[%add3A_214, %mul3A_216] : memref<65536x256xf32, #tpu.memory_space<hbm>> -> memref<512x64xf32, #tpu.memory_space<hbm>>
      %dma_wait3A_233 = tpu.memref_slice %arg6[%add3A_214, %mul3A_216] : memref<65536x256xf32, #tpu.memory_space<hbm>> -> memref<512x64xf32, #tpu.memory_space<hbm>>
      tpu.wait_dma2 semaphore(%run_scoped3A : memref<!tpu.dma_semaphore, #tpu.memory_space<semaphore_mem>>) src(%arg10 : memref<512x64xf32, #tpu.memory_space<vmem>>) dst(%dma_wait3A_233 : memref<512x64xf32, #tpu.memory_space<hbm>>)
      tpu.yield
    }) : () -> ()
    "tpu.region"() ({
      %run_scoped3A = tpu.sem_alloc : memref<!tpu.dma_semaphore, #tpu.memory_space<semaphore_mem>>
      %dma_start3A_230 = arith.constant 0 : i32
      %dma_start3A_231 = arith.constant 0 : i32
      %dma_start3A_232 = tpu.memref_slice %arg13[%dma_start3A_230, %dma_start3A_231] : memref<4096x16xf32, #tpu.memory_space<vmem_shared>> -> memref<4096x16xf32, #tpu.memory_space<vmem_shared>>
      tpu.enqueue_indirect_dma source(%arg12 : memref<512x16xf32, #tpu.memory_space<vmem>>) target(%dma_start3A_232 : memref<4096x16xf32, #tpu.memory_space<vmem_shared>>) offsets(%arg8 : memref<512xi32, #tpu.memory_space<vmem>>) semaphore(%run_scoped3A : memref<!tpu.dma_semaphore, #tpu.memory_space<semaphore_mem>>) {add = true}
      %dma_wait3A_233 = arith.constant 0 : i32
      %dma_wait3A_234 = arith.constant 0 : i32
      %dma_wait3A_235 = tpu.memref_slice %arg13[%dma_wait3A_233, %dma_wait3A_234] : memref<4096x16xf32, #tpu.memory_space<vmem_shared>> -> memref<4096x16xf32, #tpu.memory_space<vmem_shared>>
      tpu.wait_indirect_dma semaphore(%run_scoped3A : memref<!tpu.dma_semaphore, #tpu.memory_space<semaphore_mem>>) src(%arg12 : memref<512x16xf32, #tpu.memory_space<vmem>>) dst(%dma_wait3A_235 : memref<4096x16xf32, #tpu.memory_space<vmem_shared>>)
      tpu.yield
    }) : () -> ()
    %dma_wait3A_217 = arith.constant 0 : i32
    %dma_wait3A_218 = arith.constant 0 : i32
    %dma_wait3A_219 = tpu.memref_slice %arg2[%dma_wait3A_217, %dma_wait3A_218] : memref<4096x64xf32, #tpu.memory_space<hbm>> -> memref<4096x64xf32, #tpu.memory_space<hbm>>
    tpu.wait_indirect_dma semaphore(%arg15 : memref<!tpu.dma_semaphore, #tpu.memory_space<semaphore_mem>>) src(%dma_wait3A_219 : memref<4096x64xf32, #tpu.memory_space<hbm>>) dst(%arg11 : memref<512x64xf32, #tpu.memory_space<vmem>>)
    %add3A_220 = arith.constant 7680 : i32
    %add3A_221 = arith.addi %mul3A_32, %add3A_220 : i32
    %mul3A_222 = arith.constant 64 : i32
    %mul3A_223 = arith.muli %select_n3A_9, %mul3A_222 : i32
    "tpu.region"() ({
      %run_scoped3A = tpu.sem_alloc : memref<!tpu.dma_semaphore, #tpu.memory_space<semaphore_mem>>
      %dma_start3A_230 = tpu.memref_slice %arg6[%add3A_221, %mul3A_223] : memref<65536x256xf32, #tpu.memory_space<hbm>> -> memref<512x64xf32, #tpu.memory_space<hbm>>
      %dma_start3A_231 = tpu.memref_slice %arg6[%add3A_221, %mul3A_223] : memref<65536x256xf32, #tpu.memory_space<hbm>> -> memref<512x64xf32, #tpu.memory_space<hbm>>
      tpu.enqueue_dma source(%arg11 : memref<512x64xf32, #tpu.memory_space<vmem>>) target(%dma_start3A_231 : memref<512x64xf32, #tpu.memory_space<hbm>>) target_semaphore(%run_scoped3A : memref<!tpu.dma_semaphore, #tpu.memory_space<semaphore_mem>>)
      %dma_wait3A_232 = tpu.memref_slice %arg6[%add3A_221, %mul3A_223] : memref<65536x256xf32, #tpu.memory_space<hbm>> -> memref<512x64xf32, #tpu.memory_space<hbm>>
      %dma_wait3A_233 = tpu.memref_slice %arg6[%add3A_221, %mul3A_223] : memref<65536x256xf32, #tpu.memory_space<hbm>> -> memref<512x64xf32, #tpu.memory_space<hbm>>
      tpu.wait_dma2 semaphore(%run_scoped3A : memref<!tpu.dma_semaphore, #tpu.memory_space<semaphore_mem>>) src(%arg11 : memref<512x64xf32, #tpu.memory_space<vmem>>) dst(%dma_wait3A_233 : memref<512x64xf32, #tpu.memory_space<hbm>>)
      tpu.yield
    }) : () -> ()
    "tpu.region"() ({
      %run_scoped3A = tpu.sem_alloc : memref<!tpu.dma_semaphore, #tpu.memory_space<semaphore_mem>>
      %dma_start3A_230 = arith.constant 0 : i32
      %dma_start3A_231 = arith.constant 0 : i32
      %dma_start3A_232 = tpu.memref_slice %arg13[%dma_start3A_230, %dma_start3A_231] : memref<4096x16xf32, #tpu.memory_space<vmem_shared>> -> memref<4096x16xf32, #tpu.memory_space<vmem_shared>>
      tpu.enqueue_indirect_dma source(%arg12 : memref<512x16xf32, #tpu.memory_space<vmem>>) target(%dma_start3A_232 : memref<4096x16xf32, #tpu.memory_space<vmem_shared>>) offsets(%arg9 : memref<512xi32, #tpu.memory_space<vmem>>) semaphore(%run_scoped3A : memref<!tpu.dma_semaphore, #tpu.memory_space<semaphore_mem>>) {add = true}
      %dma_wait3A_233 = arith.constant 0 : i32
      %dma_wait3A_234 = arith.constant 0 : i32
      %dma_wait3A_235 = tpu.memref_slice %arg13[%dma_wait3A_233, %dma_wait3A_234] : memref<4096x16xf32, #tpu.memory_space<vmem_shared>> -> memref<4096x16xf32, #tpu.memory_space<vmem_shared>>
      tpu.wait_indirect_dma semaphore(%run_scoped3A : memref<!tpu.dma_semaphore, #tpu.memory_space<semaphore_mem>>) src(%arg12 : memref<512x16xf32, #tpu.memory_space<vmem>>) dst(%dma_wait3A_235 : memref<4096x16xf32, #tpu.memory_space<vmem_shared>>)
      tpu.yield
    }) : () -> ()
    %barrier3A_224 = arith.constant 0 : index
    tpu.barrier barrier_id(%barrier3A_224)
    %eq3A_225 = arith.constant 0 : i32
    %eq3A_226 = arith.cmpi eq, %arg1, %eq3A_225 : i32
    %convert_element_type3A_227 = arith.extui %eq3A_226 : i1 to i32
    %cond3A_228 = arith.constant 0 : i32
    %cond3A_229 = arith.cmpi ne, %convert_element_type3A_227, %cond3A_228 : i32
    scf.if %cond3A_229 {
      "tpu.region"() ({
        %run_scoped3A = tpu.sem_alloc : memref<!tpu.dma_semaphore, #tpu.memory_space<semaphore_mem>>
        %dma_start3A_230 = arith.constant 0 : i32
        %dma_start3A_231 = arith.constant 0 : i32
        %dma_start3A_232 = tpu.memref_slice %arg7[%arg0, %dma_start3A_230, %dma_start3A_231] : memref<2x4096x16xf32, #tpu.memory_space<hbm>> -> memref<1x4096x16xf32, #tpu.memory_space<hbm>>
        %dma_start3A_233 = tpu.memref_squeeze %dma_start3A_232 : memref<1x4096x16xf32, #tpu.memory_space<hbm>> -> memref<4096x16xf32, #tpu.memory_space<hbm>>
        tpu.enqueue_dma source(%arg13 : memref<4096x16xf32, #tpu.memory_space<vmem_shared>>) target(%dma_start3A_233 : memref<4096x16xf32, #tpu.memory_space<hbm>>) target_semaphore(%run_scoped3A : memref<!tpu.dma_semaphore, #tpu.memory_space<semaphore_mem>>)
        %dma_wait3A_234 = arith.constant 0 : i32
        %dma_wait3A_235 = arith.constant 0 : i32
        %dma_wait3A_236 = tpu.memref_slice %arg7[%arg0, %dma_wait3A_234, %dma_wait3A_235] : memref<2x4096x16xf32, #tpu.memory_space<hbm>> -> memref<1x4096x16xf32, #tpu.memory_space<hbm>>
        %dma_wait3A_237 = tpu.memref_squeeze %dma_wait3A_236 : memref<1x4096x16xf32, #tpu.memory_space<hbm>> -> memref<4096x16xf32, #tpu.memory_space<hbm>>
        tpu.wait_dma2 semaphore(%run_scoped3A : memref<!tpu.dma_semaphore, #tpu.memory_space<semaphore_mem>>) src(%arg13 : memref<4096x16xf32, #tpu.memory_space<vmem_shared>>) dst(%dma_wait3A_237 : memref<4096x16xf32, #tpu.memory_space<hbm>>)
        tpu.yield
      }) : () -> ()
    } else {
    }
    return
  }
}

module attributes {stable_mosaic.version = 14 : i64} {
  func.func @_tc_body(%arg0: i32, %arg1: memref<1024x256xf32, #tpu.memory_space<vmem>>, %arg2: memref<8x1024xf32, #tpu.memory_space<vmem>>, %arg3: memref<4x1024x64xf32, #tpu.memory_space<vmem>>, %arg4: memref<1024x4xf32, #tpu.memory_space<vmem>>, %arg5: memref<8x1024xi32, #tpu.memory_space<vmem>>, %arg6: memref<8x1024xi32, #tpu.memory_space<vmem>>, %arg7: memref<1xf32, #tpu.memory_space<smem>>, %arg8: memref<1xf32, #tpu.memory_space<smem>>) attributes {dimension_semantics = [#tpu.dimension_semantics<arbitrary>], iteration_bounds = array<i64: 64>, scalar_prefetch = 0 : i64, scratch_operands = 1 : i64, tpu.core_type = #tpu.core_type<tc>, window_params = [{transform_indices = @transform_0, window_bounds = array<i64: 1024, 256>}, {transform_indices = @transform_1, window_bounds = array<i64: 8, 1024>}, {pipeline_mode = #tpu.pipeline_mode<synchronous>, transform_indices = @transform_2, window_bounds = array<i64: 4, 1024, 64>}, {pipeline_mode = #tpu.pipeline_mode<synchronous>, transform_indices = @transform_3, window_bounds = array<i64: 1024, 4>}, {transform_indices = @transform_4, window_bounds = array<i64: 8, 1024>}, {transform_indices = @transform_5, window_bounds = array<i64: 8, 1024>}, {transform_indices = @transform_6, window_bounds = array<i64: 1>}]} {
    %eq3A = arith.constant 0 : i32
    %eq3A_0 = arith.cmpi eq, %arg0, %eq3A : i32
    %convert_element_type3A = arith.extui %eq3A_0 : i1 to i32
    %cond3A = arith.constant 0 : i32
    %cond3A_1 = arith.cmpi ne, %convert_element_type3A, %cond3A : i32
    scf.if %cond3A_1 {
      %swap3A_264 = arith.constant 0.000000e+00 : f32
      %swap3A_265 = arith.constant 0 : index
      %swap3A_266 = memref.load %arg8[%swap3A_265] : memref<1xf32, #tpu.memory_space<smem>>
      memref.store %swap3A_264, %arg8[%swap3A_265] : memref<1xf32, #tpu.memory_space<smem>>
    } else {
    }
    %iota3A = tpu.iota {dimensions = array<i32: 0>} : vector<1024x1024xi32>
    %convert_element_type3A_2 = arith.sitofp %iota3A : vector<1024x1024xi32> to vector<1024x1024xf32>
    %get3A = arith.constant 0 : index
    %get3A_3 = arith.constant 0 : index
    %get3A_4 = vector.load %arg1[%get3A, %get3A_3] : memref<1024x256xf32, #tpu.memory_space<vmem>>, vector<1024x64xf32>
    %get3A_5 = arith.constant 0 : index
    %get3A_6 = arith.constant 0 : index
    %get3A_7 = arith.constant 0 : index
    %get3A_8 = vector.load %arg3[%get3A_5, %get3A_6, %get3A_7] : memref<4x1024x64xf32, #tpu.memory_space<vmem>>, vector<1x1024x64xf32>
    %get3A_9 = vector.shape_cast %get3A_8 : vector<1x1024x64xf32> to vector<1024x64xf32>
    %dot_general3A = arith.constant dense<0.000000e+00> : vector<1024x1024xf32>
    %dot_general3A_10 = tpu.matmul %get3A_9, %get3A_4, %dot_general3A {dimension_numbers = #tpu.dot_dimension_numbers<[1], [1], [0], [0], [0, 0, 1, 0], [], []>, transpose_lhs_hint = false} : vector<1024x64xf32>, vector<1024x64xf32>, vector<1024x1024xf32> -> vector<1024x1024xf32>
    %get3A_11 = arith.constant 0 : index
    %get3A_12 = arith.constant 0 : index
    %get3A_13 = vector.load %arg2[%get3A_11, %get3A_12] : memref<8x1024xf32, #tpu.memory_space<vmem>>, vector<1x1024xf32>
    %get3A_14 = arith.constant 0 : index
    %get3A_15 = arith.constant 0 : index
    %get3A_16 = vector.load %arg4[%get3A_14, %get3A_15] : memref<1024x4xf32, #tpu.memory_space<vmem>>, vector<1024x1xf32>
    %add3A = vector.broadcast %get3A_13 : vector<1x1024xf32> to vector<1024x1024xf32>
    %add3A_17 = vector.broadcast %get3A_16 : vector<1024x1xf32> to vector<1024x1024xf32>
    %add3A_18 = arith.addf %add3A, %add3A_17 : vector<1024x1024xf32>
    %add3A_19 = arith.addf %add3A_18, %dot_general3A_10 : vector<1024x1024xf32>
    %max3A = arith.constant 0.000000e+00 : f32
    %max3A_20 = vector.broadcast %max3A : f32 to vector<1024x1024xf32>
    %max3A_21 = arith.maximumf %add3A_19, %max3A_20 : vector<1024x1024xf32>
    %sqrt3A = math.sqrt %max3A_21 : vector<1024x1024xf32>
    %reduce_min3A = arith.constant dense<0x7F800000> : vector<1024xf32>
    %reduce_min3A_22 = vector.multi_reduction <minimumf>, %sqrt3A, %reduce_min3A [0] : vector<1024x1024xf32> to vector<1024xf32>
    %broadcast_in_dim3A = vector.shape_cast %reduce_min3A_22 : vector<1024xf32> to vector<1x1024xf32>
    %eq3A_23 = vector.broadcast %broadcast_in_dim3A : vector<1x1024xf32> to vector<1024x1024xf32>
    %eq3A_24 = arith.cmpf oeq, %sqrt3A, %eq3A_23 : vector<1024x1024xf32>
    %jit3A = arith.constant 1.024000e+03 : f32
    %broadcast_in_dim3A_25 = vector.broadcast %jit3A : f32 to vector<1024x1024xf32>
    %select_n3A = arith.select %eq3A_24, %convert_element_type3A_2, %broadcast_in_dim3A_25 : vector<1024x1024xi1>, vector<1024x1024xf32>
    %reduce_min3A_26 = arith.constant dense<0x7F800000> : vector<1024xf32>
    %reduce_min3A_27 = vector.multi_reduction <minimumf>, %select_n3A, %reduce_min3A_26 [0] : vector<1024x1024xf32> to vector<1024xf32>
    %convert_element_type3A_28 = arith.fptosi %reduce_min3A_27 : vector<1024xf32> to vector<1024xi32>
    %swap3A = arith.constant 0 : index
    %swap3A_29 = arith.constant 0 : index
    %swap3A_30 = vector.load %arg5[%swap3A, %swap3A_29] : memref<8x1024xi32, #tpu.memory_space<vmem>>, vector<1x1024xi32>
    %swap3A_31 = vector.shape_cast %swap3A_30 : vector<1x1024xi32> to vector<1024xi32>
    %swap3A_32 = vector.shape_cast %convert_element_type3A_28 : vector<1024xi32> to vector<1x1024xi32>
    tpu.vector_store %arg5[%swap3A, %swap3A_29], %swap3A_32 {strides = array<i32>} : memref<8x1024xi32, #tpu.memory_space<vmem>>, vector<1x1024xi32>,
    %add3A_33 = arith.constant 0 : i32
    %add3A_34 = vector.broadcast %add3A_33 : i32 to vector<1024xi32>
    %add3A_35 = arith.addi %convert_element_type3A_28, %add3A_34 : vector<1024xi32>
    %swap3A_36 = arith.constant 0 : index
    %swap3A_37 = arith.constant 0 : index
    %swap3A_38 = vector.load %arg6[%swap3A_36, %swap3A_37] : memref<8x1024xi32, #tpu.memory_space<vmem>>, vector<1x1024xi32>
    %swap3A_39 = vector.shape_cast %swap3A_38 : vector<1x1024xi32> to vector<1024xi32>
    %swap3A_40 = vector.shape_cast %add3A_35 : vector<1024xi32> to vector<1x1024xi32>
    tpu.vector_store %arg6[%swap3A_36, %swap3A_37], %swap3A_40 {strides = array<i32>} : memref<8x1024xi32, #tpu.memory_space<vmem>>, vector<1x1024xi32>,
    %mul3A = arith.mulf %reduce_min3A_22, %reduce_min3A_22 : vector<1024xf32>
    %reduce_sum3A = vector.shape_cast %mul3A : vector<1024xf32> to vector<1x1024xf32>
    %reduce_sum3A_41 = arith.constant dense<0.000000e+00> : vector<1xf32>
    %reduce_sum3A_42 = vector.multi_reduction <add>, %reduce_sum3A, %reduce_sum3A_41 [1] : vector<1x1024xf32> to vector<1xf32>
    %reduce_sum3A_43 = vector.shape_cast %reduce_sum3A_42 : vector<1xf32> to vector<1x1xf32>
    %reduce_sum3A_44 = vector.extract %reduce_sum3A_43[0, 0] : f32 from vector<1x1xf32>
    %add3A_45 = arith.constant 0.000000e+00 : f32
    %add3A_46 = arith.addf %add3A_45, %reduce_sum3A_44 : f32
    %get3A_47 = arith.constant 0 : index
    %get3A_48 = arith.constant 64 : index
    %get3A_49 = vector.load %arg1[%get3A_47, %get3A_48] : memref<1024x256xf32, #tpu.memory_space<vmem>>, vector<1024x64xf32>
    %get3A_50 = arith.constant 1 : index
    %get3A_51 = arith.constant 0 : index
    %get3A_52 = arith.constant 0 : index
    %get3A_53 = vector.load %arg3[%get3A_50, %get3A_51, %get3A_52] : memref<4x1024x64xf32, #tpu.memory_space<vmem>>, vector<1x1024x64xf32>
    %get3A_54 = vector.shape_cast %get3A_53 : vector<1x1024x64xf32> to vector<1024x64xf32>
    %dot_general3A_55 = arith.constant dense<0.000000e+00> : vector<1024x1024xf32>
    %dot_general3A_56 = tpu.matmul %get3A_54, %get3A_49, %dot_general3A_55 {dimension_numbers = #tpu.dot_dimension_numbers<[1], [1], [0], [0], [0, 0, 1, 0], [], []>, transpose_lhs_hint = false} : vector<1024x64xf32>, vector<1024x64xf32>, vector<1024x1024xf32> -> vector<1024x1024xf32>
    %get3A_57 = arith.constant 1 : index
    %get3A_58 = arith.constant 0 : index
    %get3A_59 = vector.load %arg2[%get3A_57, %get3A_58] : memref<8x1024xf32, #tpu.memory_space<vmem>>, vector<1x1024xf32>
    %get3A_60 = arith.constant 0 : index
    %get3A_61 = arith.constant 1 : index
    %get3A_62 = vector.load %arg4[%get3A_60, %get3A_61] : memref<1024x4xf32, #tpu.memory_space<vmem>>, vector<1024x1xf32>
    %add3A_63 = vector.broadcast %get3A_59 : vector<1x1024xf32> to vector<1024x1024xf32>
    %add3A_64 = vector.broadcast %get3A_62 : vector<1024x1xf32> to vector<1024x1024xf32>
    %add3A_65 = arith.addf %add3A_63, %add3A_64 : vector<1024x1024xf32>
    %add3A_66 = arith.addf %add3A_65, %dot_general3A_56 : vector<1024x1024xf32>
    %max3A_67 = arith.constant 0.000000e+00 : f32
    %max3A_68 = vector.broadcast %max3A_67 : f32 to vector<1024x1024xf32>
    %max3A_69 = arith.maximumf %add3A_66, %max3A_68 : vector<1024x1024xf32>
    %sqrt3A_70 = math.sqrt %max3A_69 : vector<1024x1024xf32>
    %reduce_min3A_71 = arith.constant dense<0x7F800000> : vector<1024xf32>
    %reduce_min3A_72 = vector.multi_reduction <minimumf>, %sqrt3A_70, %reduce_min3A_71 [0] : vector<1024x1024xf32> to vector<1024xf32>
    %broadcast_in_dim3A_73 = vector.shape_cast %reduce_min3A_72 : vector<1024xf32> to vector<1x1024xf32>
    %eq3A_74 = vector.broadcast %broadcast_in_dim3A_73 : vector<1x1024xf32> to vector<1024x1024xf32>
    %eq3A_75 = arith.cmpf oeq, %sqrt3A_70, %eq3A_74 : vector<1024x1024xf32>
    %jit3A_76 = arith.constant 1.024000e+03 : f32
    %broadcast_in_dim3A_77 = vector.broadcast %jit3A_76 : f32 to vector<1024x1024xf32>
    %select_n3A_78 = arith.select %eq3A_75, %convert_element_type3A_2, %broadcast_in_dim3A_77 : vector<1024x1024xi1>, vector<1024x1024xf32>
    %reduce_min3A_79 = arith.constant dense<0x7F800000> : vector<1024xf32>
    %reduce_min3A_80 = vector.multi_reduction <minimumf>, %select_n3A_78, %reduce_min3A_79 [0] : vector<1024x1024xf32> to vector<1024xf32>
    %convert_element_type3A_81 = arith.fptosi %reduce_min3A_80 : vector<1024xf32> to vector<1024xi32>
    %swap3A_82 = arith.constant 1 : index
    %swap3A_83 = arith.constant 0 : index
    %swap3A_84 = vector.load %arg5[%swap3A_82, %swap3A_83] : memref<8x1024xi32, #tpu.memory_space<vmem>>, vector<1x1024xi32>
    %swap3A_85 = vector.shape_cast %swap3A_84 : vector<1x1024xi32> to vector<1024xi32>
    %swap3A_86 = vector.shape_cast %convert_element_type3A_81 : vector<1024xi32> to vector<1x1024xi32>
    tpu.vector_store %arg5[%swap3A_82, %swap3A_83], %swap3A_86 {strides = array<i32>} : memref<8x1024xi32, #tpu.memory_space<vmem>>, vector<1x1024xi32>,
    %add3A_87 = arith.constant 1024 : i32
    %add3A_88 = vector.broadcast %add3A_87 : i32 to vector<1024xi32>
    %add3A_89 = arith.addi %convert_element_type3A_81, %add3A_88 : vector<1024xi32>
    %swap3A_90 = arith.constant 1 : index
    %swap3A_91 = arith.constant 0 : index
    %swap3A_92 = vector.load %arg6[%swap3A_90, %swap3A_91] : memref<8x1024xi32, #tpu.memory_space<vmem>>, vector<1x1024xi32>
    %swap3A_93 = vector.shape_cast %swap3A_92 : vector<1x1024xi32> to vector<1024xi32>
    %swap3A_94 = vector.shape_cast %add3A_89 : vector<1024xi32> to vector<1x1024xi32>
    tpu.vector_store %arg6[%swap3A_90, %swap3A_91], %swap3A_94 {strides = array<i32>} : memref<8x1024xi32, #tpu.memory_space<vmem>>, vector<1x1024xi32>,
    %mul3A_95 = arith.mulf %reduce_min3A_72, %reduce_min3A_72 : vector<1024xf32>
    %reduce_sum3A_96 = vector.shape_cast %mul3A_95 : vector<1024xf32> to vector<1x1024xf32>
    %reduce_sum3A_97 = arith.constant dense<0.000000e+00> : vector<1xf32>
    %reduce_sum3A_98 = vector.multi_reduction <add>, %reduce_sum3A_96, %reduce_sum3A_97 [1] : vector<1x1024xf32> to vector<1xf32>
    %reduce_sum3A_99 = vector.shape_cast %reduce_sum3A_98 : vector<1xf32> to vector<1x1xf32>
    %reduce_sum3A_100 = vector.extract %reduce_sum3A_99[0, 0] : f32 from vector<1x1xf32>
    %add3A_101 = arith.addf %add3A_46, %reduce_sum3A_100 : f32
    %get3A_102 = arith.constant 0 : index
    %get3A_103 = arith.constant 128 : index
    %get3A_104 = vector.load %arg1[%get3A_102, %get3A_103] : memref<1024x256xf32, #tpu.memory_space<vmem>>, vector<1024x64xf32>
    %get3A_105 = arith.constant 2 : index
    %get3A_106 = arith.constant 0 : index
    %get3A_107 = arith.constant 0 : index
    %get3A_108 = vector.load %arg3[%get3A_105, %get3A_106, %get3A_107] : memref<4x1024x64xf32, #tpu.memory_space<vmem>>, vector<1x1024x64xf32>
    %get3A_109 = vector.shape_cast %get3A_108 : vector<1x1024x64xf32> to vector<1024x64xf32>
    %dot_general3A_110 = arith.constant dense<0.000000e+00> : vector<1024x1024xf32>
    %dot_general3A_111 = tpu.matmul %get3A_109, %get3A_104, %dot_general3A_110 {dimension_numbers = #tpu.dot_dimension_numbers<[1], [1], [0], [0], [0, 0, 1, 0], [], []>, transpose_lhs_hint = false} : vector<1024x64xf32>, vector<1024x64xf32>, vector<1024x1024xf32> -> vector<1024x1024xf32>
    %get3A_112 = arith.constant 2 : index
    %get3A_113 = arith.constant 0 : index
    %get3A_114 = vector.load %arg2[%get3A_112, %get3A_113] : memref<8x1024xf32, #tpu.memory_space<vmem>>, vector<1x1024xf32>
    %get3A_115 = arith.constant 0 : index
    %get3A_116 = arith.constant 2 : index
    %get3A_117 = vector.load %arg4[%get3A_115, %get3A_116] : memref<1024x4xf32, #tpu.memory_space<vmem>>, vector<1024x1xf32>
    %add3A_118 = vector.broadcast %get3A_114 : vector<1x1024xf32> to vector<1024x1024xf32>
    %add3A_119 = vector.broadcast %get3A_117 : vector<1024x1xf32> to vector<1024x1024xf32>
    %add3A_120 = arith.addf %add3A_118, %add3A_119 : vector<1024x1024xf32>
    %add3A_121 = arith.addf %add3A_120, %dot_general3A_111 : vector<1024x1024xf32>
    %max3A_122 = arith.constant 0.000000e+00 : f32
    %max3A_123 = vector.broadcast %max3A_122 : f32 to vector<1024x1024xf32>
    %max3A_124 = arith.maximumf %add3A_121, %max3A_123 : vector<1024x1024xf32>
    %sqrt3A_125 = math.sqrt %max3A_124 : vector<1024x1024xf32>
    %reduce_min3A_126 = arith.constant dense<0x7F800000> : vector<1024xf32>
    %reduce_min3A_127 = vector.multi_reduction <minimumf>, %sqrt3A_125, %reduce_min3A_126 [0] : vector<1024x1024xf32> to vector<1024xf32>
    %broadcast_in_dim3A_128 = vector.shape_cast %reduce_min3A_127 : vector<1024xf32> to vector<1x1024xf32>
    %eq3A_129 = vector.broadcast %broadcast_in_dim3A_128 : vector<1x1024xf32> to vector<1024x1024xf32>
    %eq3A_130 = arith.cmpf oeq, %sqrt3A_125, %eq3A_129 : vector<1024x1024xf32>
    %jit3A_131 = arith.constant 1.024000e+03 : f32
    %broadcast_in_dim3A_132 = vector.broadcast %jit3A_131 : f32 to vector<1024x1024xf32>
    %select_n3A_133 = arith.select %eq3A_130, %convert_element_type3A_2, %broadcast_in_dim3A_132 : vector<1024x1024xi1>, vector<1024x1024xf32>
    %reduce_min3A_134 = arith.constant dense<0x7F800000> : vector<1024xf32>
    %reduce_min3A_135 = vector.multi_reduction <minimumf>, %select_n3A_133, %reduce_min3A_134 [0] : vector<1024x1024xf32> to vector<1024xf32>
    %convert_element_type3A_136 = arith.fptosi %reduce_min3A_135 : vector<1024xf32> to vector<1024xi32>
    %swap3A_137 = arith.constant 2 : index
    %swap3A_138 = arith.constant 0 : index
    %swap3A_139 = vector.load %arg5[%swap3A_137, %swap3A_138] : memref<8x1024xi32, #tpu.memory_space<vmem>>, vector<1x1024xi32>
    %swap3A_140 = vector.shape_cast %swap3A_139 : vector<1x1024xi32> to vector<1024xi32>
    %swap3A_141 = vector.shape_cast %convert_element_type3A_136 : vector<1024xi32> to vector<1x1024xi32>
    tpu.vector_store %arg5[%swap3A_137, %swap3A_138], %swap3A_141 {strides = array<i32>} : memref<8x1024xi32, #tpu.memory_space<vmem>>, vector<1x1024xi32>,
    %add3A_142 = arith.constant 2048 : i32
    %add3A_143 = vector.broadcast %add3A_142 : i32 to vector<1024xi32>
    %add3A_144 = arith.addi %convert_element_type3A_136, %add3A_143 : vector<1024xi32>
    %swap3A_145 = arith.constant 2 : index
    %swap3A_146 = arith.constant 0 : index
    %swap3A_147 = vector.load %arg6[%swap3A_145, %swap3A_146] : memref<8x1024xi32, #tpu.memory_space<vmem>>, vector<1x1024xi32>
    %swap3A_148 = vector.shape_cast %swap3A_147 : vector<1x1024xi32> to vector<1024xi32>
    %swap3A_149 = vector.shape_cast %add3A_144 : vector<1024xi32> to vector<1x1024xi32>
    tpu.vector_store %arg6[%swap3A_145, %swap3A_146], %swap3A_149 {strides = array<i32>} : memref<8x1024xi32, #tpu.memory_space<vmem>>, vector<1x1024xi32>,
    %mul3A_150 = arith.mulf %reduce_min3A_127, %reduce_min3A_127 : vector<1024xf32>
    %reduce_sum3A_151 = vector.shape_cast %mul3A_150 : vector<1024xf32> to vector<1x1024xf32>
    %reduce_sum3A_152 = arith.constant dense<0.000000e+00> : vector<1xf32>
    %reduce_sum3A_153 = vector.multi_reduction <add>, %reduce_sum3A_151, %reduce_sum3A_152 [1] : vector<1x1024xf32> to vector<1xf32>
    %reduce_sum3A_154 = vector.shape_cast %reduce_sum3A_153 : vector<1xf32> to vector<1x1xf32>
    %reduce_sum3A_155 = vector.extract %reduce_sum3A_154[0, 0] : f32 from vector<1x1xf32>
    %add3A_156 = arith.addf %add3A_101, %reduce_sum3A_155 : f32
    %get3A_157 = arith.constant 0 : index
    %get3A_158 = arith.constant 192 : index
    %get3A_159 = vector.load %arg1[%get3A_157, %get3A_158] : memref<1024x256xf32, #tpu.memory_space<vmem>>, vector<1024x64xf32>
    %get3A_160 = arith.constant 3 : index
    %get3A_161 = arith.constant 0 : index
    %get3A_162 = arith.constant 0 : index
    %get3A_163 = vector.load %arg3[%get3A_160, %get3A_161, %get3A_162] : memref<4x1024x64xf32, #tpu.memory_space<vmem>>, vector<1x1024x64xf32>
    %get3A_164 = vector.shape_cast %get3A_163 : vector<1x1024x64xf32> to vector<1024x64xf32>
    %dot_general3A_165 = arith.constant dense<0.000000e+00> : vector<1024x1024xf32>
    %dot_general3A_166 = tpu.matmul %get3A_164, %get3A_159, %dot_general3A_165 {dimension_numbers = #tpu.dot_dimension_numbers<[1], [1], [0], [0], [0, 0, 1, 0], [], []>, transpose_lhs_hint = false} : vector<1024x64xf32>, vector<1024x64xf32>, vector<1024x1024xf32> -> vector<1024x1024xf32>
    %get3A_167 = arith.constant 3 : index
    %get3A_168 = arith.constant 0 : index
    %get3A_169 = vector.load %arg2[%get3A_167, %get3A_168] : memref<8x1024xf32, #tpu.memory_space<vmem>>, vector<1x1024xf32>
    %get3A_170 = arith.constant 0 : index
    %get3A_171 = arith.constant 3 : index
    %get3A_172 = vector.load %arg4[%get3A_170, %get3A_171] : memref<1024x4xf32, #tpu.memory_space<vmem>>, vector<1024x1xf32>
    %add3A_173 = vector.broadcast %get3A_169 : vector<1x1024xf32> to vector<1024x1024xf32>
    %add3A_174 = vector.broadcast %get3A_172 : vector<1024x1xf32> to vector<1024x1024xf32>
    %add3A_175 = arith.addf %add3A_173, %add3A_174 : vector<1024x1024xf32>
    %add3A_176 = arith.addf %add3A_175, %dot_general3A_166 : vector<1024x1024xf32>
    %max3A_177 = arith.constant 0.000000e+00 : f32
    %max3A_178 = vector.broadcast %max3A_177 : f32 to vector<1024x1024xf32>
    %max3A_179 = arith.maximumf %add3A_176, %max3A_178 : vector<1024x1024xf32>
    %sqrt3A_180 = math.sqrt %max3A_179 : vector<1024x1024xf32>
    %reduce_min3A_181 = arith.constant dense<0x7F800000> : vector<1024xf32>
    %reduce_min3A_182 = vector.multi_reduction <minimumf>, %sqrt3A_180, %reduce_min3A_181 [0] : vector<1024x1024xf32> to vector<1024xf32>
    %broadcast_in_dim3A_183 = vector.shape_cast %reduce_min3A_182 : vector<1024xf32> to vector<1x1024xf32>
    %eq3A_184 = vector.broadcast %broadcast_in_dim3A_183 : vector<1x1024xf32> to vector<1024x1024xf32>
    %eq3A_185 = arith.cmpf oeq, %sqrt3A_180, %eq3A_184 : vector<1024x1024xf32>
    %jit3A_186 = arith.constant 1.024000e+03 : f32
    %broadcast_in_dim3A_187 = vector.broadcast %jit3A_186 : f32 to vector<1024x1024xf32>
    %select_n3A_188 = arith.select %eq3A_185, %convert_element_type3A_2, %broadcast_in_dim3A_187 : vector<1024x1024xi1>, vector<1024x1024xf32>
    %reduce_min3A_189 = arith.constant dense<0x7F800000> : vector<1024xf32>
    %reduce_min3A_190 = vector.multi_reduction <minimumf>, %select_n3A_188, %reduce_min3A_189 [0] : vector<1024x1024xf32> to vector<1024xf32>
    %convert_element_type3A_191 = arith.fptosi %reduce_min3A_190 : vector<1024xf32> to vector<1024xi32>
    %swap3A_192 = arith.constant 3 : index
    %swap3A_193 = arith.constant 0 : index
    %swap3A_194 = vector.load %arg5[%swap3A_192, %swap3A_193] : memref<8x1024xi32, #tpu.memory_space<vmem>>, vector<1x1024xi32>
    %swap3A_195 = vector.shape_cast %swap3A_194 : vector<1x1024xi32> to vector<1024xi32>
    %swap3A_196 = vector.shape_cast %convert_element_type3A_191 : vector<1024xi32> to vector<1x1024xi32>
    tpu.vector_store %arg5[%swap3A_192, %swap3A_193], %swap3A_196 {strides = array<i32>} : memref<8x1024xi32, #tpu.memory_space<vmem>>, vector<1x1024xi32>,
    %add3A_197 = arith.constant 3072 : i32
    %add3A_198 = vector.broadcast %add3A_197 : i32 to vector<1024xi32>
    %add3A_199 = arith.addi %convert_element_type3A_191, %add3A_198 : vector<1024xi32>
    %swap3A_200 = arith.constant 3 : index
    %swap3A_201 = arith.constant 0 : index
    %swap3A_202 = vector.load %arg6[%swap3A_200, %swap3A_201] : memref<8x1024xi32, #tpu.memory_space<vmem>>, vector<1x1024xi32>
    %swap3A_203 = vector.shape_cast %swap3A_202 : vector<1x1024xi32> to vector<1024xi32>
    %swap3A_204 = vector.shape_cast %add3A_199 : vector<1024xi32> to vector<1x1024xi32>
    tpu.vector_store %arg6[%swap3A_200, %swap3A_201], %swap3A_204 {strides = array<i32>} : memref<8x1024xi32, #tpu.memory_space<vmem>>, vector<1x1024xi32>,
    %mul3A_205 = arith.mulf %reduce_min3A_182, %reduce_min3A_182 : vector<1024xf32>
    %reduce_sum3A_206 = vector.shape_cast %mul3A_205 : vector<1024xf32> to vector<1x1024xf32>
    %reduce_sum3A_207 = arith.constant dense<0.000000e+00> : vector<1xf32>
    %reduce_sum3A_208 = vector.multi_reduction <add>, %reduce_sum3A_206, %reduce_sum3A_207 [1] : vector<1x1024xf32> to vector<1xf32>
    %reduce_sum3A_209 = vector.shape_cast %reduce_sum3A_208 : vector<1xf32> to vector<1x1xf32>
    %reduce_sum3A_210 = vector.extract %reduce_sum3A_209[0, 0] : f32 from vector<1x1xf32>
    %add3A_211 = arith.addf %add3A_156, %reduce_sum3A_210 : f32
    %broadcast_in_dim3A_212 = arith.constant 0 : i32
    %broadcast_in_dim3A_213 = vector.broadcast %broadcast_in_dim3A_212 : i32 to vector<1024xi32>
    %swap3A_214 = arith.constant 4 : index
    %swap3A_215 = arith.constant 0 : index
    %swap3A_216 = vector.load %arg5[%swap3A_214, %swap3A_215] : memref<8x1024xi32, #tpu.memory_space<vmem>>, vector<1x1024xi32>
    %swap3A_217 = vector.shape_cast %swap3A_216 : vector<1x1024xi32> to vector<1024xi32>
    %swap3A_218 = vector.shape_cast %broadcast_in_dim3A_213 : vector<1024xi32> to vector<1x1024xi32>
    tpu.vector_store %arg5[%swap3A_214, %swap3A_215], %swap3A_218 {strides = array<i32>} : memref<8x1024xi32, #tpu.memory_space<vmem>>, vector<1x1024xi32>,
    %swap3A_219 = arith.constant 4 : index
    %swap3A_220 = arith.constant 0 : index
    %swap3A_221 = vector.load %arg6[%swap3A_219, %swap3A_220] : memref<8x1024xi32, #tpu.memory_space<vmem>>, vector<1x1024xi32>
    %swap3A_222 = vector.shape_cast %swap3A_221 : vector<1x1024xi32> to vector<1024xi32>
    %swap3A_223 = vector.shape_cast %broadcast_in_dim3A_213 : vector<1024xi32> to vector<1x1024xi32>
    tpu.vector_store %arg6[%swap3A_219, %swap3A_220], %swap3A_223 {strides = array<i32>} : memref<8x1024xi32, #tpu.memory_space<vmem>>, vector<1x1024xi32>,
    %swap3A_224 = arith.constant 5 : index
    %swap3A_225 = arith.constant 0 : index
    %swap3A_226 = vector.load %arg5[%swap3A_224, %swap3A_225] : memref<8x1024xi32, #tpu.memory_space<vmem>>, vector<1x1024xi32>
    %swap3A_227 = vector.shape_cast %swap3A_226 : vector<1x1024xi32> to vector<1024xi32>
    %swap3A_228 = vector.shape_cast %broadcast_in_dim3A_213 : vector<1024xi32> to vector<1x1024xi32>
    tpu.vector_store %arg5[%swap3A_224, %swap3A_225], %swap3A_228 {strides = array<i32>} : memref<8x1024xi32, #tpu.memory_space<vmem>>, vector<1x1024xi32>,
    %swap3A_229 = arith.constant 5 : index
    %swap3A_230 = arith.constant 0 : index
    %swap3A_231 = vector.load %arg6[%swap3A_229, %swap3A_230] : memref<8x1024xi32, #tpu.memory_space<vmem>>, vector<1x1024xi32>
    %swap3A_232 = vector.shape_cast %swap3A_231 : vector<1x1024xi32> to vector<1024xi32>
    %swap3A_233 = vector.shape_cast %broadcast_in_dim3A_213 : vector<1024xi32> to vector<1x1024xi32>
    tpu.vector_store %arg6[%swap3A_229, %swap3A_230], %swap3A_233 {strides = array<i32>} : memref<8x1024xi32, #tpu.memory_space<vmem>>, vector<1x1024xi32>,
    %swap3A_234 = arith.constant 6 : index
    %swap3A_235 = arith.constant 0 : index
    %swap3A_236 = vector.load %arg5[%swap3A_234, %swap3A_235] : memref<8x1024xi32, #tpu.memory_space<vmem>>, vector<1x1024xi32>
    %swap3A_237 = vector.shape_cast %swap3A_236 : vector<1x1024xi32> to vector<1024xi32>
    %swap3A_238 = vector.shape_cast %broadcast_in_dim3A_213 : vector<1024xi32> to vector<1x1024xi32>
    tpu.vector_store %arg5[%swap3A_234, %swap3A_235], %swap3A_238 {strides = array<i32>} : memref<8x1024xi32, #tpu.memory_space<vmem>>, vector<1x1024xi32>,
    %swap3A_239 = arith.constant 6 : index
    %swap3A_240 = arith.constant 0 : index
    %swap3A_241 = vector.load %arg6[%swap3A_239, %swap3A_240] : memref<8x1024xi32, #tpu.memory_space<vmem>>, vector<1x1024xi32>
    %swap3A_242 = vector.shape_cast %swap3A_241 : vector<1x1024xi32> to vector<1024xi32>
    %swap3A_243 = vector.shape_cast %broadcast_in_dim3A_213 : vector<1024xi32> to vector<1x1024xi32>
    tpu.vector_store %arg6[%swap3A_239, %swap3A_240], %swap3A_243 {strides = array<i32>} : memref<8x1024xi32, #tpu.memory_space<vmem>>, vector<1x1024xi32>,
    %swap3A_244 = arith.constant 7 : index
    %swap3A_245 = arith.constant 0 : index
    %swap3A_246 = vector.load %arg5[%swap3A_244, %swap3A_245] : memref<8x1024xi32, #tpu.memory_space<vmem>>, vector<1x1024xi32>
    %swap3A_247 = vector.shape_cast %swap3A_246 : vector<1x1024xi32> to vector<1024xi32>
    %swap3A_248 = vector.shape_cast %broadcast_in_dim3A_213 : vector<1024xi32> to vector<1x1024xi32>
    tpu.vector_store %arg5[%swap3A_244, %swap3A_245], %swap3A_248 {strides = array<i32>} : memref<8x1024xi32, #tpu.memory_space<vmem>>, vector<1x1024xi32>,
    %swap3A_249 = arith.constant 7 : index
    %swap3A_250 = arith.constant 0 : index
    %swap3A_251 = vector.load %arg6[%swap3A_249, %swap3A_250] : memref<8x1024xi32, #tpu.memory_space<vmem>>, vector<1x1024xi32>
    %swap3A_252 = vector.shape_cast %swap3A_251 : vector<1x1024xi32> to vector<1024xi32>
    %swap3A_253 = vector.shape_cast %broadcast_in_dim3A_213 : vector<1024xi32> to vector<1x1024xi32>
    tpu.vector_store %arg6[%swap3A_249, %swap3A_250], %swap3A_253 {strides = array<i32>} : memref<8x1024xi32, #tpu.memory_space<vmem>>, vector<1x1024xi32>,
    %get3A_254 = arith.constant 0 : index
    %get3A_255 = memref.load %arg8[%get3A_254] : memref<1xf32, #tpu.memory_space<smem>>
    %add3A_256 = arith.addf %get3A_255, %add3A_211 : f32
    %swap3A_257 = arith.constant 0 : index
    %swap3A_258 = memref.load %arg8[%swap3A_257] : memref<1xf32, #tpu.memory_space<smem>>
    memref.store %add3A_256, %arg8[%swap3A_257] : memref<1xf32, #tpu.memory_space<smem>>
    %eq3A_259 = arith.constant 63 : i32
    %eq3A_260 = arith.cmpi eq, %arg0, %eq3A_259 : i32
    %convert_element_type3A_261 = arith.extui %eq3A_260 : i1 to i32
    %cond3A_262 = arith.constant 0 : i32
    %cond3A_263 = arith.cmpi ne, %convert_element_type3A_261, %cond3A_262 : i32
    scf.if %cond3A_263 {
      %get3A_264 = arith.constant 0 : index
      %get3A_265 = memref.load %arg8[%get3A_264] : memref<1xf32, #tpu.memory_space<smem>>
      %mul3A_266 = arith.constant 5.96046448E-8 : f32
      %mul3A_267 = arith.mulf %get3A_265, %mul3A_266 : f32
      %swap3A_268 = arith.constant 0 : index
      %swap3A_269 = memref.load %arg7[%swap3A_268] : memref<1xf32, #tpu.memory_space<smem>>
      memref.store %mul3A_267, %arg7[%swap3A_268] : memref<1xf32, #tpu.memory_space<smem>>
    } else {
    }
    return
  }
  func.func @transform_0(%arg0: i32) -> (i32, i32) {
    %c0_i32 = arith.constant 0 : i32
    %c0_i32_0 = arith.constant 0 : i32
    return %arg0, %c0_i32 : i32, i32
  }
  func.func @transform_1(%arg0: i32) -> (i32, i32) {
    %c0_i32 = arith.constant 0 : i32
    %c0_i32_0 = arith.constant 0 : i32
    return %c0_i32, %arg0 : i32, i32
  }
  func.func @transform_2(%arg0: i32) -> (i32, i32, i32) {
    %c0_i32 = arith.constant 0 : i32
    %c0_i32_0 = arith.constant 0 : i32
    %c0_i32_1 = arith.constant 0 : i32
    %c0_i32_2 = arith.constant 0 : i32
    return %c0_i32, %c0_i32_0, %c0_i32_1 : i32, i32, i32
  }
  func.func @transform_3(%arg0: i32) -> (i32, i32) {
    %c0_i32 = arith.constant 0 : i32
    %c0_i32_0 = arith.constant 0 : i32
    %c0_i32_1 = arith.constant 0 : i32
    return %c0_i32, %c0_i32_0 : i32, i32
  }
  func.func @transform_4(%arg0: i32) -> (i32, i32) {
    %c0_i32 = arith.constant 0 : i32
    %c0_i32_0 = arith.constant 0 : i32
    return %c0_i32, %arg0 : i32, i32
  }
  func.func @transform_5(%arg0: i32) -> (i32, i32) {
    %c0_i32 = arith.constant 0 : i32
    %c0_i32_0 = arith.constant 0 : i32
    return %c0_i32, %arg0 : i32, i32
  }
  func.func @transform_6(%arg0: i32) -> i32 {
    %c0_i32 = arith.constant 0 : i32
    %c0_i32_0 = arith.constant 0 : i32
    return %c0_i32 : i32
  }
}

module attributes {stable_mosaic.version = 14 : i64} {
  func.func @_perp_body(%arg0: i32, %arg1: memref<2x4x1024x16xf32, #tpu.memory_space<vmem>>, %arg2: memref<1xf32, #tpu.memory_space<smem>>) attributes {dimension_semantics = [#tpu.dimension_semantics<arbitrary>], iteration_bounds = array<i64: 1>, scalar_prefetch = 0 : i64, scratch_operands = 0 : i64, tpu.core_type = #tpu.core_type<tc>, window_params = [{pipeline_mode = #tpu.pipeline_mode<synchronous>, transform_indices = @transform_0, window_bounds = array<i64: 2, 4, 1024, 16>}, {transform_indices = @transform_1, window_bounds = array<i64: 1>}]} {
    %get3A = arith.constant 0 : index
    %get3A_0 = arith.constant 0 : index
    %get3A_1 = arith.constant 0 : index
    %get3A_2 = arith.constant 0 : index
    %get3A_3 = vector.load %arg1[%get3A, %get3A_0, %get3A_1, %get3A_2] : memref<2x4x1024x16xf32, #tpu.memory_space<vmem>>, vector<2x4x1024x16xf32>
    %slice3A = vector.extract_strided_slice %get3A_3 {offsets = [0, 0, 0, 0], sizes = [1, 4, 1024, 16], strides = [1, 1, 1, 1]} : vector<2x4x1024x16xf32> to vector<1x4x1024x16xf32>
    %squeeze3A = vector.shape_cast %slice3A : vector<1x4x1024x16xf32> to vector<4x1024x16xf32>
    %slice3A_4 = vector.extract_strided_slice %get3A_3 {offsets = [1, 0, 0, 0], sizes = [1, 4, 1024, 16], strides = [1, 1, 1, 1]} : vector<2x4x1024x16xf32> to vector<1x4x1024x16xf32>
    %squeeze3A_5 = vector.shape_cast %slice3A_4 : vector<1x4x1024x16xf32> to vector<4x1024x16xf32>
    %add3A = arith.addf %squeeze3A, %squeeze3A_5 : vector<4x1024x16xf32>
    %reduce_sum3A = arith.constant dense<0.000000e+00> : vector<4x1024xf32>
    %reduce_sum3A_6 = vector.multi_reduction <add>, %add3A, %reduce_sum3A [2] : vector<4x1024x16xf32> to vector<4x1024xf32>
    %mul3A = arith.constant 9.53674316E-7 : f32
    %mul3A_7 = vector.broadcast %mul3A : f32 to vector<4x1024xf32>
    %mul3A_8 = arith.mulf %reduce_sum3A_6, %mul3A_7 : vector<4x1024xf32>
    %add3A_9 = arith.constant 1.000000e-10 : f32
    %add3A_10 = vector.broadcast %add3A_9 : f32 to vector<4x1024xf32>
    %add3A_11 = arith.addf %mul3A_8, %add3A_10 : vector<4x1024xf32>
    %log3A = math.log %add3A_11 : vector<4x1024xf32>
    %mul3A_12 = arith.mulf %mul3A_8, %log3A : vector<4x1024xf32>
    %reduce_sum3A_13 = arith.constant dense<0.000000e+00> : vector<4xf32>
    %reduce_sum3A_14 = vector.multi_reduction <add>, %mul3A_12, %reduce_sum3A_13 [1] : vector<4x1024xf32> to vector<4xf32>
    %neg3A = arith.constant 0.000000e+00 : f32
    %neg3A_15 = vector.broadcast %neg3A : f32 to vector<4xf32>
    %neg3A_16 = arith.subf %neg3A_15, %reduce_sum3A_14 : vector<4xf32>
    %exp3A = math.exp %neg3A_16 : vector<4xf32>
    %reduce_sum3A_17 = vector.shape_cast %exp3A : vector<4xf32> to vector<1x4xf32>
    %reduce_sum3A_18 = arith.constant dense<0.000000e+00> : vector<1xf32>
    %reduce_sum3A_19 = vector.multi_reduction <add>, %reduce_sum3A_17, %reduce_sum3A_18 [1] : vector<1x4xf32> to vector<1xf32>
    %reduce_sum3A_20 = vector.shape_cast %reduce_sum3A_19 : vector<1xf32> to vector<1x1xf32>
    %reduce_sum3A_21 = vector.extract %reduce_sum3A_20[0, 0] : f32 from vector<1x1xf32>
    %div3A = arith.constant 4.000000e+00 : f32
    %div3A_22 = arith.divf %reduce_sum3A_21, %div3A : f32
    %swap3A = arith.constant 0 : index
    %swap3A_23 = memref.load %arg2[%swap3A] : memref<1xf32, #tpu.memory_space<smem>>
    memref.store %div3A_22, %arg2[%swap3A] : memref<1xf32, #tpu.memory_space<smem>>
    return
  }
  func.func @transform_0(%arg0: i32) -> (i32, i32, i32, i32) {
    %c0_i32 = arith.constant 0 : i32
    %c0_i32_0 = arith.constant 0 : i32
    %c0_i32_1 = arith.constant 0 : i32
    %c0_i32_2 = arith.constant 0 : i32
    %c0_i32_3 = arith.constant 0 : i32
    return %c0_i32, %c0_i32_0, %c0_i32_1, %c0_i32_2 : i32, i32, i32, i32
  }
  func.func @transform_1(%arg0: i32) -> i32 {
    %c0_i32 = arith.constant 0 : i32
    %c0_i32_0 = arith.constant 0 : i32
    return %c0_i32 : i32
  }
}

</mosaic_0001>

<sc_bundles>
// kernel: kernel.5.cloned.1.call-start
scs
__scs_entry_jumppad:
0x0: {  	(pc) =	sbr.rel $0x88, $3  }
0x1: {  	(tag) =	ssettag $0x0;
	lr =	simm.s32 $0x1  }
0x2: {  	[smem:$0x3F9F] =	sst lr;
	_ =	strace $0xD0000000  }
0x3: {  	_ = 	snop  }
0x4: {  	_ = 	snop  }
0x5: {  	_ = 	snop  }
0x6: {  	_ = 	snop  }
0x7: {  	_ = 	snop  }
__scs_overlays_trampoline_lowered:
0x8: {  	[smem:$0x3FAE] =	sst s0  }
0x9: {  	[smem:$0x3FAF] =	sst s1  }
0xa: {  	[smem:$0x3FB0] =	sst s2  }
0xb: {  	[smem:$0x3FB1] =	sst s3  }
0xc: {  	[smem:$0x3FB2] =	sst s4  }
0xd: {  	[smem:$0x3FB3] =	sst s5  }
0xe: {  	[smem:$0x3FB4] =	sst s6  }
0xf: {  	[smem:$0x3FB5] =	sst s7  }
0x10: {  	[smem:$0x3FB6] =	sst s8  }
0x11: {  	[smem:$0x3FB7] =	sst s9;
	s0 =	simm.s32 @!p0 $0x0  }
0x12: {  	s1 =	sld [smem:$0x3F9D];
	s0 =	simm.s32 @p0 $0x1  }
0x13: {  	[smem:$0x3FB8] =	sst s0;
	s0 =	simm.s32 @!p1 $0x0  }
0x14: {  	s2 =	sld [smem:$0x3F9C];
	s0 =	simm.s32 @p1 $0x1  }
0x15: {  	[smem:$0x3FB9] =	sst s0;
	s0 =	simm.s32 @!p2 $0x0  }
0x16: {  	s3 =	sld [smem:$0x3FDB];
	s0 =	simm.s32 @p2 $0x1  }
0x17: {  	s4 =	simm.s32 $0x1BF5;
	[smem:$0x3FBB] =	sst s0  }
0x18: {  	s0 =	sld [smem:$0x3F9E];
	_ =	swait.ge [sflag:s4], $0x0  }
0x19: {  	s7 =	sld [smem:$0x3F9F]  }
0x1a: {  	s8 =	sadd.s32 $0xFFFFE003, lr  }
0x1b: {  	s9 =	sadd.s32 $0xFFFFFEF7, lr;
	s5 =	simm.s32 $0xFFFFFFFF;
	p2 =	slt.u32 s8, $0xFFFFF086  }
0x1c: {  	p1 =	slt.u32 s9, $0xF7A;
	s5 =	simm.s32 @!p2 $0x0  }
0x1d: {  	s5 =	simm.s32 @p1 $0x1;
	p0 =	seq.s32 s7, s2  }
0x1e: {  	s7 =	smul.u32 @!p0 $0xF7A, s2;
	p2 =	seq.s32 @!p0 s5, $0x0  }
0x1f: {  	s9 =	smul.u32 $0xF7A, s1;
	s8 =	simm.s32 @!p0 $0x1BF5;
	p2 =	por !p2, p0  }
0x20: {  	[sflag:s8] =	ssyncset.s32 @!p0 $0xFFFFF086;
	s6 =	sadd.s32 @!p0 s3, s7;
	s7 =	simm.s32 @!p0 $0x108  }
0x21: {  	s3 =	sadd.s32 s3, s9;
	s6 =	sadd.s32 @!p0 $0x88, s6;
	s7 =	simm.s32 @p2 $0x1082  }
0x22: {  	[simem:s7], [sflag:s8] =	dma.local @!p0 [hbm:s6], $0xF7A  }
0x23: {  	s9 =	sor.u32 $0xD0000000, s2;
	s6 =	simm.s32 $0x108;
	_ =	swait.ge @!p0 [sflag:s8], $0x0  }
0x24: {  	s3 =	sadd.s32 $0x88, s3;
	s6 =	simm.s32 @!p1 $0x1082;
	[sflag:s4] =	ssyncset.s32 $0xFFFFF086  }
0x25: {  	[simem:s6], [sflag:s4] =	dma.local [hbm:s3], $0xF7A  }
0x26: {  	[smem:$0x3F9F] =	sst s1;
	(tag) =	ssettag s2;
	_ =	strace s9  }
0x27: {  	s1 =	sld [smem:$0x3FAF]  }
0x28: {  	s2 =	sld [smem:$0x3FB0]  }
0x29: {  	s4 =	sld [smem:$0x3FB2]  }
0x2a: {  	p0 =	seq.s32 s5, $0x0;
	s5 =	sld [smem:$0x3FB3]  }
0x2b: {  	s6 =	sld [smem:$0x3FB4]  }
0x2c: {  	s7 =	sld [smem:$0x3FB5]  }
0x2d: {  	s3 =	simm.s32 $0x108;
	s8 =	sld [smem:$0x3FB6]  }
0x2e: {  	s3 =	simm.s32 @!p0 $0x1082;
	s9 =	sld [smem:$0x3FB7]  }
0x2f: {  	lr =	sadd.s32 s0, s3;
	s0 =	sld [smem:$0x3FAE]  }
0x30: {  	s3 =	sld [smem:$0x3FB1]  }
0x31: {  	[smem:$0x3FBA] =	sst s10  }
0x32: {  	s10 =	sld [smem:$0x3FB8];
	_ =	sdelay $0x3  }
0x33: {  	p0 =	seq.s32 s10, $0x1;
	s10 =	sld [smem:$0x3FBA];
	_ =	sdelay $0x3  }
0x34: {  	[smem:$0x3FBA] =	sst s10  }
0x35: {  	s10 =	sld [smem:$0x3FB9];
	_ =	sdelay $0x3  }
0x36: {  	p1 =	seq.s32 s10, $0x1;
	s10 =	sld [smem:$0x3FBA];
	_ =	sdelay $0x3  }
0x37: {  	[smem:$0x3FBA] =	sst s10  }
0x38: {  	s10 =	sld [smem:$0x3FBB]  }
0x39: {  	_ = 	snop;
	(pc) =	sbr.ind lr, $3  }
0x3a: {  	_ = 	snop  }
0x3b: {  	_ = 	snop  }
0x3c: {  	p2 =	seq.s32 s10, $0x1;
	s10 =	sld [smem:$0x3FBA]  }
0x3d: {  	_ =	shalt  }
0x3e: {  	_ =	shalt  }
0x3f: {  	_ =	shalt  }
0x40: {  	_ =	shalt  }
0x41: {  	_ =	shalt  }
0x42: {  	_ =	shalt  }
0x43: {  	_ =	shalt  }
0x44: {  	_ =	shalt  }
0x45: {  	_ =	shalt  }
0x46: {  	_ =	shalt  }
0x47: {  	_ =	shalt  }
0x48: {  	_ =	shalt  }
0x49: {  	_ =	shalt  }
0x4a: {  	_ =	shalt  }
0x4b: {  	_ =	shalt  }
0x4c: {  	_ =	shalt  }
0x4d: {  	_ =	shalt  }
0x4e: {  	_ =	shalt  }
0x4f: {  	_ =	shalt  }
0x50: {  	_ =	shalt  }
0x51: {  	_ =	shalt  }
0x52: {  	_ =	shalt  }
0x53: {  	_ =	shalt  }
0x54: {  	_ =	shalt  }
0x55: {  	_ =	shalt  }
0x56: {  	_ =	shalt  }
0x57: {  	_ =	shalt  }
0x58: {  	_ =	shalt  }
0x59: {  	_ =	shalt  }
0x5a: {  	_ =	shalt  }
0x5b: {  	_ =	shalt  }
0x5c: {  	_ =	shalt  }
0x5d: {  	_ =	shalt  }
0x5e: {  	_ =	shalt  }
0x5f: {  	_ =	shalt  }
0x60: {  	_ =	shalt  }
0x61: {  	_ =	shalt  }
0x62: {  	_ =	shalt  }
0x63: {  	_ =	shalt  }
0x64: {  	_ =	shalt  }
0x65: {  	_ =	shalt  }
0x66: {  	_ =	shalt  }
0x67: {  	_ =	shalt  }
0x68: {  	_ =	shalt  }
0x69: {  	_ =	shalt  }
0x6a: {  	_ =	shalt  }
0x6b: {  	_ =	shalt  }
0x6c: {  	_ =	shalt  }
0x6d: {  	_ =	shalt  }
0x6e: {  	_ =	shalt  }
0x6f: {  	_ =	shalt  }
0x70: {  	_ =	shalt  }
0x71: {  	_ =	shalt  }
0x72: {  	_ =	shalt  }
0x73: {  	_ =	shalt  }
0x74: {  	_ =	shalt  }
0x75: {  	_ =	shalt  }
0x76: {  	_ =	shalt  }
0x77: {  	_ =	shalt  }
0x78: {  	_ =	shalt  }
0x79: {  	_ =	shalt  }
0x7a: {  	_ =	shalt  }
0x7b: {  	_ =	shalt  }
0x7c: {  	_ =	shalt  }
0x7d: {  	_ =	shalt  }
0x7e: {  	_ =	shalt  }
0x7f: {  	_ =	shalt  }
0x80: {  	_ =	shalt  }
0x81: {  	_ =	shalt  }
0x82: {  	_ =	shalt  }
0x83: {  	_ =	shalt  }
0x84: {  	_ =	shalt  }
0x85: {  	_ =	shalt  }
0x86: {  	_ =	shalt  }
0x87: {  	_ =	shalt  }
.Lfunc_end0:
.L_simem_size_0:
called_computation_lowered:
.L_overlay_start_0:
0x88: {  	s2 =	sld [smem:$0x3FD9]  }
0x89: {  	s3 =	sld [smem:$0x3FFE];
	_ =	sdelay $0x1  }
0x8a: {  	s1 =	srdreg.scid  }
0x8b: {  	s0 =	sand.u32 $0x1, s1  }
0x8c: {  	s14 =	sshll.u32 s0, $0xA;
	s2 =	sadd.s32 s3, s2  }
0x8d: {  	s2 =	sadd.s32 s2, s14  }
0x8e: {  	[smem:$0x3FC6] =	sst s2  }
0x8f: {  	_ = 	snop  }
0x90: {  	s2 =	sld [smem:$0x3FD0];
	_ =	sdelay $0x2  }
0x91: {  	s15 =	simm.s32 $0xA;
	s4 =	simm.s32 $0x10  }
0x92: {  	[smem:s4], [sflag:s15] =	dma.local [hbm:s2], $0x1  }
0x93: {  	_ =	swait.eq [sflag:s15], $0x1  }
0x94: {  	[sflag:s15] =	ssyncset.done $0x0  }
0x95: {  	[sflag:s15] =	ssyncadd.s32 $0xFFFFFFFF  }
0x96: {  	s16 =	sld [smem:$0x10];
	(tm) =	ssettm $0x1  }
0x97: {  	s17 =	sld [smem:$0x3FFB];
	_ =	sdelay $0x3  }
0x98: {  	_ =	strace s17  }
0x99: {  	s3 =	sld [smem:$0x3FFC];
	_ =	sdelay $0x3  }
0x9a: {  	_ =	strace s3  }
0x9b: {  	s3 =	sld [smem:$0x3FFD];
	_ =	sdelay $0x3  }
0x9c: {  	_ =	strace s3  }
0x9d: {  	_ =	strace $0x8FFFFFFF  }
0x9e: {  	s18 =	sld [smem:$0x3FDB];
	_ =	sdelay $0x1  }
0x9f: {  	s19 =	simm.s32 $_scs_section_size  }
0xa0: {  	s5 =	simm.s32 $_size__tile_overlayer_lowered;
	s6 =	simm.s32 $_tile_overlayer_lowered  }
0xa1: {  	s22 =	simm.s32 $0x1BFF;
	s21 =	sshll.u32 s6, $0x1;
	s3 =	sadd.s32 s19, s18  }
0xa2: {  	s7 =	simm.s32 $0x0;
	s20 =	sshll.u32 s5, $0x1;
	s5 =	sadd.s32 s21, s3  }
0xa3: {  	[timem:s7], [sflag:s22] =	dma.local [hbm:s5], s20  }
0xa4: {  	_ =	swait.ge [sflag:s22], s20  }
0xa5: {  	s4 =	ssub.s32 $0x0, s20;
	[sflag:s22] =	ssyncset.done $0x0  }
0xa6: {  	[sflag:s22] =	ssyncadd.s32 s4;
	_ =	sdelay $0x1  }
0xa7: {  	s23 =	simm.s32 $0x1B8B  }
0xa8: {  	_ =	swait.ge [sflag:s23], $0x1  }
0xa9: {  	[sflag:s23] =	ssyncset.done $0x0  }
0xaa: {  	s25 =	simm.s32 $0x1B8E;
	s24 =	sld [smem:$0x3FFE];
	[sflag:s23] =	ssyncadd.s32 $0xFFFFFFFF  }
0xab: {  	s26 =	simm.s32 $execute0_lowered;
	[smem:$0x3FD2] =	sst s25  }
0xac: {  	s5 =	sshll.u32 s26, $0x1;
	_ =	strace $0x80000046;
	[dreg:$0x1] =	wrdreg $0xFFFFFFFF  }
0xad: {  	s28 =	simm.s32 $_size_execute0_lowered;
	s3 =	sadd.s32 s3, s5;
	[dreg:$0x0] =	wrdreg $0x0  }
0xae: {  	s5 =	sshll.u32 s28, $0x1;
	[dreg:$0x2] =	wrdreg s3  }
0xaf: {  	[dreg:$0x3] =	wrdreg s5  }
0xb0: {  	[dreg:$0x4] =	wrdreg $0xC0  }
0xb1: {  	_ =	task [dreg:s7], $0x5FFFF  }
0xb2: {  	[dreg:$0x1] =	wrdreg $0xFFFFFFFF  }
0xb3: {  	[dreg:$0x0] =	wrdreg $0x60  }
0xb4: {  	[dreg:$0x2] =	wrdreg s24  }
0xb5: {  	[dreg:$0x3] =	wrdreg s16  }
0xb6: {  	[dreg:$0x4] =	wrdreg $0x124000  }
0xb7: {  	[dreg:$0x5] =	wrdreg $0x9  }
0xb8: {  	_ =	task.clear_ibuf [dreg:s7], $0x6FFFF;
	_ =	strace $0x90000046  }
0xb9: {  	s29 =	simm.s32 $0x9;
	_ =	strace $0x80000048  }
0xba: {  	_ =	swait.ge [sflag:s29], $0x1  }
0xbb: {  	[sflag:s29] =	ssyncadd.s32 $0xFFFFFFFF  }
0xbc: {  	_ =	strace $0x90000048  }
0xbd: {  	_ =	sfence  }
0xbe: {  	s30 =	sld [smem:$0x0];
	_ =	sdelay $0x2  }
0xbf: {  	s31 =	sshll.u32 s1, $0xD;
	s1 =	sshrl.u32 s1, $0x2  }
0xc0: {  	s3 =	sand.u32 $0x4000, s31;
	s1 =	sadd.s32 s1, s30  }
0xc1: {  	s0 =	sor.u32 s3, s0;
	s1 =	sshll.u32 s1, $0x11  }
0xc2: {  	s0 =	sor.u32 s1, s0  }
0xc3: {  	s0 =	sadd.s32 $0x8F2B, s0  }
0xc4: {  	[sflag:s0] =	ssyncadd.remote.s32 $0x1  }
0xc5: {  	_ =	sfence.sel $0xFFFF  }
0xc6: {  	[dreg:$0x0] =	wrdreg $0xFFFFFFFF;
	(pc) =	sbr.abs _section_cstart, $3  }
0xc7: {  	[dreg:$0x1] =	wrdreg $0xFFFFFFFF  }
0xc8: {  	_ =	task.clear_ibuf [dreg:s7], $0x2FFFF;
	_ =	strace $0x9FFFFFFF  }
0xc9: {  	(tm) =	ssettm $0x7FFFFFFF  }
tec
execute0_lowered:
.L_overlay_start_1:
0x0: {  	(tag) =	ssettag $0x1  }
0x1: {  	s1 =	rddreg [dreg:$0x0]  }
0x2: {  	s9 =	rddreg [dreg:$0x1];
	s6 =	stileid.u32  }
0x3: {  	s2 =	rddreg [dreg:$0x2];
	s0 =	srdreg.scid;
	s3 =	sshll.u32 s6, $0x1  }
0x4: {  	s4 =	sand.u32 $0x1, s0;
	s5 =	sshrl.u32 s6, $0x1;
	s7 =	sadd.s32 $0x8400, s1  }
0x5: {  	s10 =	sadd.s32 $0x8000, s1;
	s30 =	sadd.s32 $0xA400, s1;
	[dreg:$0x19] =	wrdreg s4  }
0x6: {  	s8 =	sand.u32 $0x2, s3;
	s3 =	simm.s32 $0x0;
	s26 =	sshll.u32 s5, $0xD  }
0x7: {  	s14 =	sshll.u32 s5, $0x15;
	s4 =	sor.u32 s4, s8;
	[smem:$0x7FF] =	sst s3  }
0x8: {  	s12 =	sor.u32 $0x200, s26;
	s16 =	sor.u32 $0x400, s26;
	s21 =	sor.u32 $0x600, s26  }
0x9: {  	s24 =	sor.u32 $0x800, s26;
	_ =	strace $0x80000047;
	[dreg:$0x4] =	wrdreg s7  }
0xa: {  	s29 =	sshll.u32 s4, $0x10;
	[dreg:$0x5] =	wrdreg s10;
	s31 =	sshll.u32 s4, $0x6  }
0xb: {  	s8 =	sor.u32 s26, s29;
	s13 =	sor.u32 s12, s29;
	s4 =	sor.u32 s14, s31  }
0xc: {  	s17 =	sor.u32 s16, s29;
	s22 =	sor.u32 s21, s29;
	s0 =	sor.u32 s24, s29  }
0xd: {  	s8 =	sshrl.u32 s8, $0x3;
	s7 =	sshrl.u32 s13, $0x3;
	s4 =	sshrl.u32 s4, $0x3  }
0xe: {  	s5 =	sshrl.u32 s17, $0x3;
	s23 =	sshrl.u32 s22, $0x3;
	s10 =	sshrl.u32 s0, $0x3  }
0xf: {  	s17 =	sor.u32 $0xC00, s26;
	s11 =	sadd.s32 s9, s8;
	s15 =	sadd.s32 s9, s7  }
0x10: {  	s4 =	sadd.s32 s30, s4;
	s8 =	sshll.u32 s12, $0x8;
	[dreg:$0x6] =	wrdreg s11  }
0x11: {  	s18 =	sadd.s32 s9, s5;
	s7 =	sshll.u32 s16, $0x8;
	[dreg:$0x7] =	wrdreg s15  }
0x12: {  	s5 =	sshll.u32 s21, $0x8;
	[dreg:$0x8] =	wrdreg s4;
	s19 =	sor.u32 s31, s8  }
0x13: {  	[dreg:$0x9] =	wrdreg s18;
	s7 =	sor.u32 s31, s7;
	s5 =	sor.u32 s31, s5  }
0x14: {  	s11 =	sor.u32 $0xA00, s26;
	s8 =	sshll.u32 s24, $0x8;
	s18 =	sor.u32 s17, s29  }
0x15: {  	s24 =	sor.u32 $0x1000, s26;
	s20 =	sshrl.u32 s19, $0x3;
	s7 =	sshrl.u32 s7, $0x3  }
0x16: {  	s12 =	sshrl.u32 s5, $0x3;
	s13 =	sor.u32 s11, s29;
	s15 =	sor.u32 s31, s8  }
0x17: {  	s19 =	sshrl.u32 s18, $0x3;
	s0 =	sor.u32 s24, s29;
	s4 =	sadd.s32 s30, s20  }
0x18: {  	s25 =	sadd.s32 s30, s7;
	s5 =	sshrl.u32 s13, $0x3;
	s16 =	sshrl.u32 s15, $0x3  }
0x19: {  	s7 =	sshll.u32 s11, $0x8;
	s20 =	sor.u32 $0xE00, s26;
	[dreg:$0xa] =	wrdreg s4  }
0x1a: {  	s4 =	sadd.s32 s9, s23;
	[dreg:$0xc] =	wrdreg s25;
	s14 =	sadd.s32 s9, s5  }
0x1b: {  	s7 =	sor.u32 s31, s7;
	s22 =	sor.u32 s20, s29;
	s5 =	sshll.u32 s17, $0x8  }
0x1c: {  	s8 =	sshll.u32 s20, $0x8;
	s17 =	sor.u32 $0x1200, s26;
	[dreg:$0xb] =	wrdreg s4  }
0x1d: {  	s4 =	sadd.s32 s9, s10;
	[dreg:$0xf] =	wrdreg s14;
	s7 =	sshrl.u32 s7, $0x3  }
0x1e: {  	s23 =	sshrl.u32 s22, $0x3;
	s5 =	sor.u32 s31, s5;
	s14 =	rddreg [dreg:$0x5]  }
0x1f: {  	s8 =	sor.u32 s31, s8;
	[dreg:$0xd] =	wrdreg s4;
	s4 =	sadd.s32 s30, s12  }
0x20: {  	s21 =	sadd.s32 s30, s7;
	s25 =	sshrl.u32 s5, $0x3;
	[dreg:$0xe] =	wrdreg s4  }
0x21: {  	s5 =	sshrl.u32 s0, $0x3;
	s4 =	sadd.s32 s30, s16;
	[dreg:$0x12] =	wrdreg s21  }
0x22: {  	s7 =	sshll.u32 s24, $0x8;
	s5 =	sadd.s32 s9, s5;
	[dreg:$0x10] =	wrdreg s4  }
0x23: {  	s13 =	sor.u32 s31, s7;
	s4 =	sadd.s32 s9, s19;
	[dreg:$0x15] =	wrdreg s5  }
0x24: {  	s5 =	sshrl.u32 s13, $0x3;
	[dreg:$0x11] =	wrdreg s4;
	s4 =	sadd.s32 s9, s23  }
0x25: {  	s11 =	sor.u32 s17, s29;
	s15 =	sadd.s32 s30, s5;
	[dreg:$0x13] =	wrdreg s4  }
0x26: {  	s10 =	sshrl.u32 s8, $0x3;
	s4 =	sadd.s32 s30, s25;
	[dreg:$0x18] =	wrdreg s15  }
0x27: {  	s12 =	sshrl.u32 s11, $0x3;
	[dreg:$0x14] =	wrdreg s4;
	s4 =	sadd.s32 s30, s10  }
0x28: {  	p0 =	sne.s32 s6, $0x0;
	[dreg:$0x16] =	wrdreg s4;
	s4 =	sadd.s32 s9, s12  }
0x29: {  	s5 =	simm.s32 $0x3;
	[dreg:$0x17] =	wrdreg s4;
	s4 =	simm.s32 $0x10400  }
0x2a: {  	[tilespmem:s4], [sflag:$0x3] =	stream.linear.gather [hbm4b:s14+s3], $0x2000, $0x38;
	[tilespmem:$0x13400] =	vst v63  }
0x2b: {  	s6 =	simm.s32 @!p0 $0x3;
	_ =	swait.ge [sflag:s5], $0x2000  }
0x2c: {  	s0 =	smov.u32 s9;
	s8 =	simm.s32 @!p0 $0x1C03;
	[sflag:s5] =	ssyncset.done $0x0  }
0x2d: {  	s7 =	sshrl.u32 @!p0 s2, $0x3;
	s9 =	rddreg [dreg:$0x4];
	[sflag:s5] =	ssyncadd.s32 $0xFFFFE000  }
0x2e: {  	[spmem:s7], [sflag:s8] =	dma.local @!p0 [hbm:s9], $0x2000  }
0x2f: {  	_ =	swait.ge @!p0 [sflag:s6], $0x2000  }
0x30: {  	[sflag:s6] =	ssyncset.done @!p0 $0x0  }
0x31: {  	[sflag:s6] =	ssyncadd.s32 @!p0 $0xFFFFE000  }
0x32: {  	[bflag:$0x0] =	sbarrier.arrive $0xFFFF  }
0x33: {  	s16 =	rddreg [dreg:$0x6]  }
0x34: {  	[tilespmem:s3], [sflag:$0x3] =	stream.linear.gather [hbm4b:s16+s3], $0x200, $0x38;
	[tilespmem:$0x13400] =	vst v63  }
0x35: {  	_ =	swait.ge [sflag:s5], $0x200  }
0x36: {  	[sflag:s5] =	ssyncset.done $0x0  }
0x37: {  	s10 =	simm.s32 $0x400;
	s9 =	simm.s32 $0x200;
	[sflag:s5] =	ssyncadd.s32 $0xFFFFFE00  }
0x38: {  	[tilespmem:s10], [sflag:$0x1] =	stream.indirect.gather [hbm4b:s1+s9], $0x40, s3, s9, $0xb8;
	[tilespmem:$0x13400] =	vst v63  }
0x39: {  	s11 =	rddreg [dreg:$0x7]  }
0x3a: {  	[tilespmem:s9], [sflag:$0x3] =	stream.linear.gather [hbm4b:s11+s3], $0x200, $0x38;
	[tilespmem:$0x13400] =	vst v63  }
0x3b: {  	_ =	swait.ge [sflag:s5], $0x200  }
0x3c: {  	[sflag:s5] =	ssyncset.done $0x0  }
0x3d: {  	s12 =	simm.s32 $0x1;
	s11 =	simm.s32 $0x8400;
	[sflag:s5] =	ssyncadd.s32 $0xFFFFFE00  }
0x3e: {  	[tilespmem:s11], [sflag:$0x2] =	stream.indirect.gather [hbm4b:s1+s9], $0x40, s9, s9, $0xb8;
	[tilespmem:$0x13400] =	vst v63  }
0x3f: {  	_ =	swait.ge [sflag:s12], $0x8000  }
0x40: {  	s13 =	simm.s32 $0x40;
	[sflag:s12] =	ssyncset.done $0x0  }
0x41: {  	s14 =	simm.s32 $0x100;
	s15 =	rddreg [dreg:$0x8];
	[sflag:s12] =	ssyncadd.s32 $0xFFFF8000  }
0x42: {  	[hbm4b:s15+s13] =	stream.strided.scatter [tilespmem:s10], [sflag:$0x3], $0x8000, s14, s13, $0x38;
	[tilespmem:$0x13400] =	vst v63  }
0x43: {  	_ =	swait.ge [sflag:s5], $0x8000  }
0x44: {  	[sflag:s5] =	ssyncset.done $0x0  }
0x45: {  	[sflag:s5] =	ssyncadd.s32 $0xFFFF8000  }
0x46: {  	[spmem:s2] =	stream.indirect.scatter.add.f32 [tilespmem:s4], [sflag:$0x3], $0x10, s3, s9, $0xb8;
	[tilespmem:$0x13400] =	vst v63  }
0x47: {  	_ =	swait.ge [sflag:s5], $0x2000  }
0x48: {  	[sflag:s5] =	ssyncset.done $0x0  }
0x49: {  	s18 =	rddreg [dreg:$0x9];
	[sflag:s5] =	ssyncadd.s32 $0xFFFFE000  }
0x4a: {  	[tilespmem:s3], [sflag:$0x3] =	stream.linear.gather [hbm4b:s18+s3], $0x200, $0x38;
	[tilespmem:$0x13400] =	vst v63  }
0x4b: {  	_ =	swait.ge [sflag:s5], $0x200  }
0x4c: {  	[sflag:s5] =	ssyncset.done $0x0  }
0x4d: {  	s15 =	simm.s32 $0x2;
	[sflag:s5] =	ssyncadd.s32 $0xFFFFFE00  }
0x4e: {  	[tilespmem:s10], [sflag:$0x1] =	stream.indirect.gather [hbm4b:s1+s9], $0x40, s3, s9, $0xb8;
	[tilespmem:$0x13400] =	vst v63  }
0x4f: {  	_ =	swait.ge [sflag:s15], $0x8000  }
0x50: {  	[sflag:s15] =	ssyncset.done $0x0  }
0x51: {  	s16 =	rddreg [dreg:$0xa];
	[sflag:s15] =	ssyncadd.s32 $0xFFFF8000  }
0x52: {  	[hbm4b:s16+s13] =	stream.strided.scatter [tilespmem:s11], [sflag:$0x3], $0x8000, s14, s13, $0x38;
	[tilespmem:$0x13400] =	vst v63  }
0x53: {  	_ =	swait.ge [sflag:s5], $0x8000  }
0x54: {  	[sflag:s5] =	ssyncset.done $0x0  }
0x55: {  	[sflag:s5] =	ssyncadd.s32 $0xFFFF8000  }
0x56: {  	[spmem:s2] =	stream.indirect.scatter.add.f32 [tilespmem:s4], [sflag:$0x3], $0x10, s9, s9, $0xb8;
	[tilespmem:$0x13400] =	vst v63  }
0x57: {  	_ =	swait.ge [sflag:s5], $0x2000  }
0x58: {  	[sflag:s5] =	ssyncset.done $0x0  }
0x59: {  	s19 =	rddreg [dreg:$0xb];
	[sflag:s5] =	ssyncadd.s32 $0xFFFFE000  }
0x5a: {  	[tilespmem:s9], [sflag:$0x3] =	stream.linear.gather [hbm4b:s19+s3], $0x200, $0x38;
	[tilespmem:$0x13400] =	vst v63  }
0x5b: {  	_ =	swait.ge [sflag:s5], $0x200  }
0x5c: {  	[sflag:s5] =	ssyncset.done $0x0  }
0x5d: {  	[sflag:s5] =	ssyncadd.s32 $0xFFFFFE00  }
0x5e: {  	[tilespmem:s11], [sflag:$0x2] =	stream.indirect.gather [hbm4b:s1+s9], $0x40, s9, s9, $0xb8;
	[tilespmem:$0x13400] =	vst v63  }
0x5f: {  	_ =	swait.ge [sflag:s12], $0x8000  }
0x60: {  	[sflag:s12] =	ssyncset.done $0x0  }
0x61: {  	s20 =	rddreg [dreg:$0xc];
	[sflag:s12] =	ssyncadd.s32 $0xFFFF8000  }
0x62: {  	[hbm4b:s20+s13] =	stream.strided.scatter [tilespmem:s10], [sflag:$0x3], $0x8000, s14, s13, $0x38;
	[tilespmem:$0x13400] =	vst v63  }
0x63: {  	_ =	swait.ge [sflag:s5], $0x8000  }
0x64: {  	[sflag:s5] =	ssyncset.done $0x0  }
0x65: {  	[sflag:s5] =	ssyncadd.s32 $0xFFFF8000  }
0x66: {  	[spmem:s2] =	stream.indirect.scatter.add.f32 [tilespmem:s4], [sflag:$0x3], $0x10, s3, s9, $0xb8;
	[tilespmem:$0x13400] =	vst v63  }
0x67: {  	_ =	swait.ge [sflag:s5], $0x2000  }
0x68: {  	[sflag:s5] =	ssyncset.done $0x0  }
0x69: {  	s21 =	rddreg [dreg:$0xd];
	[sflag:s5] =	ssyncadd.s32 $0xFFFFE000  }
0x6a: {  	[tilespmem:s3], [sflag:$0x3] =	stream.linear.gather [hbm4b:s21+s3], $0x200, $0x38;
	[tilespmem:$0x13400] =	vst v63  }
0x6b: {  	_ =	swait.ge [sflag:s5], $0x200  }
0x6c: {  	[sflag:s5] =	ssyncset.done $0x0  }
0x6d: {  	[sflag:s5] =	ssyncadd.s32 $0xFFFFFE00  }
0x6e: {  	[tilespmem:s10], [sflag:$0x1] =	stream.indirect.gather [hbm4b:s1+s9], $0x40, s3, s9, $0xb8;
	[tilespmem:$0x13400] =	vst v63  }
0x6f: {  	_ =	swait.ge [sflag:s15], $0x8000  }
0x70: {  	[sflag:s15] =	ssyncset.done $0x0  }
0x71: {  	s22 =	rddreg [dreg:$0xe];
	[sflag:s15] =	ssyncadd.s32 $0xFFFF8000  }
0x72: {  	[hbm4b:s22+s13] =	stream.strided.scatter [tilespmem:s11], [sflag:$0x3], $0x8000, s14, s13, $0x38;
	[tilespmem:$0x13400] =	vst v63  }
0x73: {  	_ =	swait.ge [sflag:s5], $0x8000  }
0x74: {  	[sflag:s5] =	ssyncset.done $0x0  }
0x75: {  	[sflag:s5] =	ssyncadd.s32 $0xFFFF8000  }
0x76: {  	[spmem:s2] =	stream.indirect.scatter.add.f32 [tilespmem:s4], [sflag:$0x3], $0x10, s9, s9, $0xb8;
	[tilespmem:$0x13400] =	vst v63  }
0x77: {  	_ =	swait.ge [sflag:s5], $0x2000  }
0x78: {  	[sflag:s5] =	ssyncset.done $0x0  }
0x79: {  	s23 =	rddreg [dreg:$0xf];
	[sflag:s5] =	ssyncadd.s32 $0xFFFFE000  }
0x7a: {  	[tilespmem:s9], [sflag:$0x3] =	stream.linear.gather [hbm4b:s23+s3], $0x200, $0x38;
	[tilespmem:$0x13400] =	vst v63  }
0x7b: {  	_ =	swait.ge [sflag:s5], $0x200  }
0x7c: {  	[sflag:s5] =	ssyncset.done $0x0  }
0x7d: {  	[sflag:s5] =	ssyncadd.s32 $0xFFFFFE00  }
0x7e: {  	[tilespmem:s11], [sflag:$0x2] =	stream.indirect.gather [hbm4b:s1+s9], $0x40, s9, s9, $0xb8;
	[tilespmem:$0x13400] =	vst v63  }
0x7f: {  	_ =	swait.ge [sflag:s12], $0x8000  }
0x80: {  	[sflag:s12] =	ssyncset.done $0x0  }
0x81: {  	s24 =	rddreg [dreg:$0x10];
	[sflag:s12] =	ssyncadd.s32 $0xFFFF8000  }
0x82: {  	[hbm4b:s24+s13] =	stream.strided.scatter [tilespmem:s10], [sflag:$0x3], $0x8000, s14, s13, $0x38;
	[tilespmem:$0x13400] =	vst v63  }
0x83: {  	_ =	swait.ge [sflag:s5], $0x8000  }
0x84: {  	[sflag:s5] =	ssyncset.done $0x0  }
0x85: {  	[sflag:s5] =	ssyncadd.s32 $0xFFFF8000  }
0x86: {  	[spmem:s2] =	stream.indirect.scatter.add.f32 [tilespmem:s4], [sflag:$0x3], $0x10, s3, s9, $0xb8;
	[tilespmem:$0x13400] =	vst v63  }
0x87: {  	_ =	swait.ge [sflag:s5], $0x2000  }
0x88: {  	[sflag:s5] =	ssyncset.done $0x0  }
0x89: {  	s25 =	rddreg [dreg:$0x11];
	[sflag:s5] =	ssyncadd.s32 $0xFFFFE000  }
0x8a: {  	[tilespmem:s3], [sflag:$0x3] =	stream.linear.gather [hbm4b:s25+s3], $0x200, $0x38;
	[tilespmem:$0x13400] =	vst v63  }
0x8b: {  	_ =	swait.ge [sflag:s5], $0x200  }
0x8c: {  	[sflag:s5] =	ssyncset.done $0x0  }
0x8d: {  	[sflag:s5] =	ssyncadd.s32 $0xFFFFFE00  }
0x8e: {  	[tilespmem:s10], [sflag:$0x1] =	stream.indirect.gather [hbm4b:s1+s9], $0x40, s3, s9, $0xb8;
	[tilespmem:$0x13400] =	vst v63  }
0x8f: {  	_ =	swait.ge [sflag:s15], $0x8000  }
0x90: {  	[sflag:s15] =	ssyncset.done $0x0  }
0x91: {  	s18 =	rddreg [dreg:$0x12];
	[sflag:s15] =	ssyncadd.s32 $0xFFFF8000  }
0x92: {  	[hbm4b:s18+s13] =	stream.strided.scatter [tilespmem:s11], [sflag:$0x3], $0x8000, s14, s13, $0x38;
	[tilespmem:$0x13400] =	vst v63  }
0x93: {  	_ =	swait.ge [sflag:s5], $0x8000  }
0x94: {  	[sflag:s5] =	ssyncset.done $0x0  }
0x95: {  	[sflag:s5] =	ssyncadd.s32 $0xFFFF8000  }
0x96: {  	[spmem:s2] =	stream.indirect.scatter.add.f32 [tilespmem:s4], [sflag:$0x3], $0x10, s9, s9, $0xb8;
	[tilespmem:$0x13400] =	vst v63  }
0x97: {  	_ =	swait.ge [sflag:s5], $0x2000  }
0x98: {  	[sflag:s5] =	ssyncset.done $0x0  }
0x99: {  	s19 =	rddreg [dreg:$0x13];
	[sflag:s5] =	ssyncadd.s32 $0xFFFFE000  }
0x9a: {  	[tilespmem:s9], [sflag:$0x3] =	stream.linear.gather [hbm4b:s19+s3], $0x200, $0x38;
	[tilespmem:$0x13400] =	vst v63  }
0x9b: {  	_ =	swait.ge [sflag:s5], $0x200  }
0x9c: {  	[sflag:s5] =	ssyncset.done $0x0  }
0x9d: {  	[sflag:s5] =	ssyncadd.s32 $0xFFFFFE00  }
0x9e: {  	[tilespmem:s11], [sflag:$0x2] =	stream.indirect.gather [hbm4b:s1+s9], $0x40, s9, s9, $0xb8;
	[tilespmem:$0x13400] =	vst v63  }
0x9f: {  	_ =	swait.ge [sflag:s12], $0x8000  }
0xa0: {  	[sflag:s12] =	ssyncset.done $0x0  }
0xa1: {  	s20 =	rddreg [dreg:$0x14];
	[sflag:s12] =	ssyncadd.s32 $0xFFFF8000  }
0xa2: {  	[hbm4b:s20+s13] =	stream.strided.scatter [tilespmem:s10], [sflag:$0x3], $0x8000, s14, s13, $0x38;
	[tilespmem:$0x13400] =	vst v63  }
0xa3: {  	_ =	swait.ge [sflag:s5], $0x8000  }
0xa4: {  	[sflag:s5] =	ssyncset.done $0x0  }
0xa5: {  	[sflag:s5] =	ssyncadd.s32 $0xFFFF8000  }
0xa6: {  	[spmem:s2] =	stream.indirect.scatter.add.f32 [tilespmem:s4], [sflag:$0x3], $0x10, s3, s9, $0xb8;
	[tilespmem:$0x13400] =	vst v63  }
0xa7: {  	_ =	swait.ge [sflag:s5], $0x2000  }
0xa8: {  	[sflag:s5] =	ssyncset.done $0x0  }
0xa9: {  	s21 =	rddreg [dreg:$0x15];
	[sflag:s5] =	ssyncadd.s32 $0xFFFFE000  }
0xaa: {  	[tilespmem:s3], [sflag:$0x3] =	stream.linear.gather [hbm4b:s21+s3], $0x200, $0x38;
	[tilespmem:$0x13400] =	vst v63  }
0xab: {  	_ =	swait.ge [sflag:s5], $0x200  }
0xac: {  	[sflag:s5] =	ssyncset.done $0x0  }
0xad: {  	[sflag:s5] =	ssyncadd.s32 $0xFFFFFE00  }
0xae: {  	[tilespmem:s10], [sflag:$0x1] =	stream.indirect.gather [hbm4b:s1+s9], $0x40, s3, s9, $0xb8;
	[tilespmem:$0x13400] =	vst v63  }
0xaf: {  	_ =	swait.ge [sflag:s15], $0x8000  }
0xb0: {  	[sflag:s15] =	ssyncset.done $0x0  }
0xb1: {  	s22 =	rddreg [dreg:$0x16];
	[sflag:s15] =	ssyncadd.s32 $0xFFFF8000  }
0xb2: {  	[hbm4b:s22+s13] =	stream.strided.scatter [tilespmem:s11], [sflag:$0x3], $0x8000, s14, s13, $0x38;
	[tilespmem:$0x13400] =	vst v63  }
0xb3: {  	_ =	swait.ge [sflag:s5], $0x8000  }
0xb4: {  	[sflag:s5] =	ssyncset.done $0x0  }
0xb5: {  	[sflag:s5] =	ssyncadd.s32 $0xFFFF8000  }
0xb6: {  	[spmem:s2] =	stream.indirect.scatter.add.f32 [tilespmem:s4], [sflag:$0x3], $0x10, s9, s9, $0xb8;
	[tilespmem:$0x13400] =	vst v63  }
0xb7: {  	_ =	swait.ge [sflag:s5], $0x2000  }
0xb8: {  	[sflag:s5] =	ssyncset.done $0x0  }
0xb9: {  	s23 =	rddreg [dreg:$0x17];
	[sflag:s5] =	ssyncadd.s32 $0xFFFFE000  }
0xba: {  	[tilespmem:s9], [sflag:$0x3] =	stream.linear.gather [hbm4b:s23+s3], $0x200, $0x38;
	[tilespmem:$0x13400] =	vst v63  }
0xbb: {  	_ =	swait.ge [sflag:s5], $0x200  }
0xbc: {  	[sflag:s5] =	ssyncset.done $0x0  }
0xbd: {  	[sflag:s5] =	ssyncadd.s32 $0xFFFFFE00  }
0xbe: {  	[tilespmem:s11], [sflag:$0x2] =	stream.indirect.gather [hbm4b:s1+s9], $0x40, s9, s9, $0xb8;
	[tilespmem:$0x13400] =	vst v63  }
0xbf: {  	_ =	swait.ge [sflag:s12], $0x8000  }
0xc0: {  	[sflag:s12] =	ssyncset.done $0x0  }
0xc1: {  	s24 =	rddreg [dreg:$0x18];
	[sflag:s12] =	ssyncadd.s32 $0xFFFF8000  }
0xc2: {  	[hbm4b:s24+s13] =	stream.strided.scatter [tilespmem:s10], [sflag:$0x3], $0x8000, s14, s13, $0x38;
	[tilespmem:$0x13400] =	vst v63  }
0xc3: {  	_ =	swait.ge [sflag:s5], $0x8000  }
0xc4: {  	[sflag:s5] =	ssyncset.done $0x0  }
0xc5: {  	s19 =	sor.u32 $0x1400, s26;
	[sflag:s5] =	ssyncadd.s32 $0xFFFF8000  }
0xc6: {  	[spmem:s2] =	stream.indirect.scatter.add.f32 [tilespmem:s4], [sflag:$0x3], $0x10, s3, s9, $0xb8;
	[tilespmem:$0x13400] =	vst v63  }
0xc7: {  	s25 =	sor.u32 s19, s29;
	_ =	swait.ge [sflag:s5], $0x2000  }
0xc8: {  	s16 =	sshrl.u32 s25, $0x3;
	[sflag:s5] =	ssyncset.done $0x0  }
0xc9: {  	s16 =	sadd.s32 s0, s16;
	[sflag:s5] =	ssyncadd.s32 $0xFFFFE000  }
0xca: {  	[tilespmem:s3], [sflag:$0x3] =	stream.linear.gather [hbm4b:s16+s3], $0x200, $0x38;
	[tilespmem:$0x13400] =	vst v63  }
0xcb: {  	_ =	swait.ge [sflag:s5], $0x200  }
0xcc: {  	[sflag:s5] =	ssyncset.done $0x0  }
0xcd: {  	s17 =	sshll.u32 s17, $0x8;
	[sflag:s5] =	ssyncadd.s32 $0xFFFFFE00  }
0xce: {  	[tilespmem:s10], [sflag:$0x1] =	stream.indirect.gather [hbm4b:s1+s9], $0x40, s3, s9, $0xb8;
	[tilespmem:$0x13400] =	vst v63  }
0xcf: {  	s17 =	sor.u32 s31, s17;
	_ =	swait.ge [sflag:s15], $0x8000  }
0xd0: {  	s17 =	sshrl.u32 s17, $0x3;
	[sflag:s15] =	ssyncset.done $0x0  }
0xd1: {  	s17 =	sadd.s32 s30, s17;
	[sflag:s15] =	ssyncadd.s32 $0xFFFF8000  }
0xd2: {  	[hbm4b:s17+s13] =	stream.strided.scatter [tilespmem:s11], [sflag:$0x3], $0x8000, s14, s13, $0x38;
	[tilespmem:$0x13400] =	vst v63  }
0xd3: {  	_ =	swait.ge [sflag:s5], $0x8000  }
0xd4: {  	[sflag:s5] =	ssyncset.done $0x0  }
0xd5: {  	s21 =	sor.u32 $0x1600, s26;
	[sflag:s5] =	ssyncadd.s32 $0xFFFF8000  }
0xd6: {  	[spmem:s2] =	stream.indirect.scatter.add.f32 [tilespmem:s4], [sflag:$0x3], $0x10, s9, s9, $0xb8;
	[tilespmem:$0x13400] =	vst v63  }
0xd7: {  	s18 =	sor.u32 s21, s29;
	_ =	swait.ge [sflag:s5], $0x2000  }
0xd8: {  	s18 =	sshrl.u32 s18, $0x3;
	[sflag:s5] =	ssyncset.done $0x0  }
0xd9: {  	s18 =	sadd.s32 s0, s18;
	[sflag:s5] =	ssyncadd.s32 $0xFFFFE000  }
0xda: {  	[tilespmem:s9], [sflag:$0x3] =	stream.linear.gather [hbm4b:s18+s3], $0x200, $0x38;
	[tilespmem:$0x13400] =	vst v63  }
0xdb: {  	_ =	swait.ge [sflag:s5], $0x200  }
0xdc: {  	[sflag:s5] =	ssyncset.done $0x0  }
0xdd: {  	s19 =	sshll.u32 s19, $0x8;
	[sflag:s5] =	ssyncadd.s32 $0xFFFFFE00  }
0xde: {  	[tilespmem:s11], [sflag:$0x2] =	stream.indirect.gather [hbm4b:s1+s9], $0x40, s9, s9, $0xb8;
	[tilespmem:$0x13400] =	vst v63  }
0xdf: {  	s19 =	sor.u32 s31, s19;
	_ =	swait.ge [sflag:s12], $0x8000  }
0xe0: {  	s19 =	sshrl.u32 s19, $0x3;
	[sflag:s12] =	ssyncset.done $0x0  }
0xe1: {  	s19 =	sadd.s32 s30, s19;
	[sflag:s12] =	ssyncadd.s32 $0xFFFF8000  }
0xe2: {  	[hbm4b:s19+s13] =	stream.strided.scatter [tilespmem:s10], [sflag:$0x3], $0x8000, s14, s13, $0x38;
	[tilespmem:$0x13400] =	vst v63  }
0xe3: {  	_ =	swait.ge [sflag:s5], $0x8000  }
0xe4: {  	[sflag:s5] =	ssyncset.done $0x0  }
0xe5: {  	s23 =	sor.u32 $0x1800, s26;
	[sflag:s5] =	ssyncadd.s32 $0xFFFF8000  }
0xe6: {  	[spmem:s2] =	stream.indirect.scatter.add.f32 [tilespmem:s4], [sflag:$0x3], $0x10, s3, s9, $0xb8;
	[tilespmem:$0x13400] =	vst v63  }
0xe7: {  	s20 =	sor.u32 s23, s29;
	_ =	swait.ge [sflag:s5], $0x2000  }
0xe8: {  	s20 =	sshrl.u32 s20, $0x3;
	[sflag:s5] =	ssyncset.done $0x0  }
0xe9: {  	s20 =	sadd.s32 s0, s20;
	[sflag:s5] =	ssyncadd.s32 $0xFFFFE000  }
0xea: {  	[tilespmem:s3], [sflag:$0x3] =	stream.linear.gather [hbm4b:s20+s3], $0x200, $0x38;
	[tilespmem:$0x13400] =	vst v63  }
0xeb: {  	_ =	swait.ge [sflag:s5], $0x200  }
0xec: {  	[sflag:s5] =	ssyncset.done $0x0  }
0xed: {  	s21 =	sshll.u32 s21, $0x8;
	[sflag:s5] =	ssyncadd.s32 $0xFFFFFE00  }
0xee: {  	[tilespmem:s10], [sflag:$0x1] =	stream.indirect.gather [hbm4b:s1+s9], $0x40, s3, s9, $0xb8;
	[tilespmem:$0x13400] =	vst v63  }
0xef: {  	s21 =	sor.u32 s31, s21;
	_ =	swait.ge [sflag:s15], $0x8000  }
0xf0: {  	s21 =	sshrl.u32 s21, $0x3;
	[sflag:s15] =	ssyncset.done $0x0  }
0xf1: {  	s21 =	sadd.s32 s30, s21;
	[sflag:s15] =	ssyncadd.s32 $0xFFFF8000  }
0xf2: {  	[hbm4b:s21+s13] =	stream.strided.scatter [tilespmem:s11], [sflag:$0x3], $0x8000, s14, s13, $0x38;
	[tilespmem:$0x13400] =	vst v63  }
0xf3: {  	_ =	swait.ge [sflag:s5], $0x8000  }
0xf4: {  	[sflag:s5] =	ssyncset.done $0x0  }
0xf5: {  	s25 =	sor.u32 $0x1A00, s26;
	[sflag:s5] =	ssyncadd.s32 $0xFFFF8000  }
0xf6: {  	[spmem:s2] =	stream.indirect.scatter.add.f32 [tilespmem:s4], [sflag:$0x3], $0x10, s9, s9, $0xb8;
	[tilespmem:$0x13400] =	vst v63  }
0xf7: {  	s22 =	sor.u32 s25, s29;
	_ =	swait.ge [sflag:s5], $0x2000  }
0xf8: {  	s22 =	sshrl.u32 s22, $0x3;
	[sflag:s5] =	ssyncset.done $0x0  }
0xf9: {  	s22 =	sadd.s32 s0, s22;
	[sflag:s5] =	ssyncadd.s32 $0xFFFFE000  }
0xfa: {  	[tilespmem:s9], [sflag:$0x3] =	stream.linear.gather [hbm4b:s22+s3], $0x200, $0x38;
	[tilespmem:$0x13400] =	vst v63  }
0xfb: {  	_ =	swait.ge [sflag:s5], $0x200  }
0xfc: {  	[sflag:s5] =	ssyncset.done $0x0  }
0xfd: {  	s23 =	sshll.u32 s23, $0x8;
	[sflag:s5] =	ssyncadd.s32 $0xFFFFFE00  }
0xfe: {  	[tilespmem:s11], [sflag:$0x2] =	stream.indirect.gather [hbm4b:s1+s9], $0x40, s9, s9, $0xb8;
	[tilespmem:$0x13400] =	vst v63  }
0xff: {  	s23 =	sor.u32 s31, s23;
	_ =	swait.ge [sflag:s12], $0x8000  }
0x100: {  	s23 =	sshrl.u32 s23, $0x3;
	[sflag:s12] =	ssyncset.done $0x0  }
0x101: {  	s23 =	sadd.s32 s30, s23;
	[sflag:s12] =	ssyncadd.s32 $0xFFFF8000  }
0x102: {  	[hbm4b:s23+s13] =	stream.strided.scatter [tilespmem:s10], [sflag:$0x3], $0x8000, s14, s13, $0x38;
	[tilespmem:$0x13400] =	vst v63  }
0x103: {  	_ =	swait.ge [sflag:s5], $0x8000  }
0x104: {  	[sflag:s5] =	ssyncset.done $0x0  }
0x105: {  	s28 =	sor.u32 $0x1C00, s26;
	[sflag:s5] =	ssyncadd.s32 $0xFFFF8000  }
0x106: {  	[spmem:s2] =	stream.indirect.scatter.add.f32 [tilespmem:s4], [sflag:$0x3], $0x10, s3, s9, $0xb8;
	[tilespmem:$0x13400] =	vst v63  }
0x107: {  	s24 =	sor.u32 s28, s29;
	_ =	swait.ge [sflag:s5], $0x2000  }
0x108: {  	s24 =	sshrl.u32 s24, $0x3;
	[sflag:s5] =	ssyncset.done $0x0  }
0x109: {  	s24 =	sadd.s32 s0, s24;
	[sflag:s5] =	ssyncadd.s32 $0xFFFFE000  }
0x10a: {  	[tilespmem:s3], [sflag:$0x3] =	stream.linear.gather [hbm4b:s24+s3], $0x200, $0x38;
	[tilespmem:$0x13400] =	vst v63  }
0x10b: {  	_ =	swait.ge [sflag:s5], $0x200  }
0x10c: {  	[sflag:s5] =	ssyncset.done $0x0  }
0x10d: {  	s25 =	sshll.u32 s25, $0x8;
	[sflag:s5] =	ssyncadd.s32 $0xFFFFFE00  }
0x10e: {  	[tilespmem:s10], [sflag:$0x1] =	stream.indirect.gather [hbm4b:s1+s9], $0x40, s3, s9, $0xb8;
	[tilespmem:$0x13400] =	vst v63  }
0x10f: {  	s25 =	sor.u32 s31, s25;
	_ =	swait.ge [sflag:s15], $0x8000  }
0x110: {  	s25 =	sshrl.u32 s25, $0x3;
	[sflag:s15] =	ssyncset.done $0x0  }
0x111: {  	s25 =	sadd.s32 s30, s25;
	[sflag:s15] =	ssyncadd.s32 $0xFFFF8000  }
0x112: {  	[hbm4b:s25+s13] =	stream.strided.scatter [tilespmem:s11], [sflag:$0x3], $0x8000, s14, s13, $0x38;
	[tilespmem:$0x13400] =	vst v63  }
0x113: {  	_ =	swait.ge [sflag:s5], $0x8000  }
0x114: {  	[sflag:s5] =	ssyncset.done $0x0  }
0x115: {  	[sflag:s5] =	ssyncadd.s32 $0xFFFF8000  }
0x116: {  	[spmem:s2] =	stream.indirect.scatter.add.f32 [tilespmem:s4], [sflag:$0x3], $0x10, s9, s9, $0xb8;
	[tilespmem:$0x13400] =	vst v63  }
0x117: {  	s0 =	sor.u32 $0x1E00, s26;
	_ =	swait.ge [sflag:s5], $0x2000  }
0x118: {  	s26 =	sor.u32 s0, s29;
	[sflag:s5] =	ssyncset.done $0x0  }
0x119: {  	s26 =	sshrl.u32 s26, $0x3;
	s29 =	rddreg [dreg:$0x1]  }
0x11a: {  	[sflag:s5] =	ssyncadd.s32 $0xFFFFE000;
	s26 =	sadd.s32 s29, s26  }
0x11b: {  	[tilespmem:s9], [sflag:$0x3] =	stream.linear.gather [hbm4b:s26+s3], $0x200, $0x38;
	[tilespmem:$0x13400] =	vst v63  }
0x11c: {  	_ =	swait.ge [sflag:s5], $0x200  }
0x11d: {  	[sflag:s5] =	ssyncset.done $0x0  }
0x11e: {  	s28 =	sshll.u32 s28, $0x8;
	[sflag:s5] =	ssyncadd.s32 $0xFFFFFE00  }
0x11f: {  	[tilespmem:s11], [sflag:$0x2] =	stream.indirect.gather [hbm4b:s1+s9], $0x40, s9, s9, $0xb8;
	[tilespmem:$0x13400] =	vst v63  }
0x120: {  	s28 =	sor.u32 s31, s28;
	_ =	swait.ge [sflag:s12], $0x8000  }
0x121: {  	s28 =	sshrl.u32 s28, $0x3;
	[sflag:s12] =	ssyncset.done $0x0  }
0x122: {  	s28 =	sadd.s32 s30, s28;
	[sflag:s12] =	ssyncadd.s32 $0xFFFF8000  }
0x123: {  	[hbm4b:s28+s13] =	stream.strided.scatter [tilespmem:s10], [sflag:$0x3], $0x8000, s14, s13, $0x38;
	[tilespmem:$0x13400] =	vst v63  }
0x124: {  	_ =	swait.ge [sflag:s5], $0x8000  }
0x125: {  	[sflag:s5] =	ssyncset.done $0x0  }
0x126: {  	[sflag:s5] =	ssyncadd.s32 $0xFFFF8000  }
0x127: {  	[spmem:s2] =	stream.indirect.scatter.add.f32 [tilespmem:s4], [sflag:$0x3], $0x10, s3, s9, $0xb8;
	[tilespmem:$0x13400] =	vst v63  }
0x128: {  	_ =	swait.ge [sflag:s5], $0x2000  }
0x129: {  	[sflag:s5] =	ssyncset.done $0x0  }
0x12a: {  	s0 =	sshll.u32 s0, $0x8;
	[sflag:s5] =	ssyncadd.s32 $0xFFFFE000  }
0x12b: {  	s0 =	sor.u32 s31, s0;
	_ =	swait.ge [sflag:s15], $0x8000  }
0x12c: {  	s0 =	sshrl.u32 s0, $0x3;
	[sflag:s15] =	ssyncset.done $0x0  }
0x12d: {  	s29 =	sadd.s32 s30, s0;
	[sflag:s15] =	ssyncadd.s32 $0xFFFF8000  }
0x12e: {  	[hbm4b:s29+s13] =	stream.strided.scatter [tilespmem:s11], [sflag:$0x3], $0x8000, s14, s13, $0x38;
	[tilespmem:$0x13400] =	vst v63  }
0x12f: {  	_ =	swait.ge [sflag:s5], $0x8000  }
0x130: {  	[sflag:s5] =	ssyncset.done $0x0;
	s31 =	rddreg [dreg:$0x19]  }
0x131: {  	[sflag:s5] =	ssyncadd.s32 $0xFFFF8000;
	s0 =	ssub.s32 $0x2, s31  }
0x132: {  	[spmem:s2] =	stream.indirect.scatter.add.f32 [tilespmem:s4], [sflag:$0x3], $0x10, s9, s9, $0xb8;
	[tilespmem:$0x13400] =	vst v63  }
0x133: {  	s30 =	sshrl.u32 s0, $0x1  }
0x134: {  	s0 =	ssub.s32 s0, s30  }
0x135: {  	s0 =	smax.u32 s0, $0x1  }
0x136: {  	s30 =	sshll.u32 s31, $0xD;
	s31 =	sadd.s32 $0xFFFFFFFF, s0  }
0x137: {  	_ =	swait.ge [sflag:s5], $0x2000;
	p1 =	sne.s32 s31, $0x0  }
.Ltmp0:
0x138: {  	[sflag:s5] =	ssyncset.done $0x0;
	(pc) =	sbr.rel @!p1 .LBB2_2-.Ltmp0, $4  }
0x139: {  	s30 =	sadd.s32 s30, s1;
	[sflag:s5] =	ssyncadd.s32 $0xFFFFE000  }
0x13a: {  	s30 =	sadd.s32 $0x20A400, s30;
	[bflag:$0x0] =	sbarrier.arrive $0xFFFF  }
0x13b: {  	[hbm:s30], [sflag:s8] =	dma.local @!p0 [spmem:s7], $0x2000  }
0x13c: {  	_ =	swait.ge @!p0 [sflag:s6], $0x2000  }
.LBB2_1:
0x13d: {  	[sflag:s6] =	ssyncset.done @!p0 $0x0  }
0x13e: {  	s0 =	rddreg [dreg:$0x5];
	[sflag:s6] =	ssyncadd.s32 @!p0 $0xFFFFE000  }
0x13f: {  	[tilespmem:s4], [sflag:$0x3] =	stream.linear.gather [hbm4b:s0+s3], $0x2000, $0x38;
	[tilespmem:$0x13400] =	vst v63  }
0x140: {  	_ =	swait.ge [sflag:s5], $0x2000  }
0x141: {  	[sflag:s5] =	ssyncset.done $0x0  }
0x142: {  	s0 =	rddreg [dreg:$0x4];
	[sflag:s5] =	ssyncadd.s32 $0xFFFFE000  }
0x143: {  	[spmem:s7], [sflag:s8] =	dma.local @!p0 [hbm:s0], $0x2000  }
0x144: {  	_ =	swait.ge @!p0 [sflag:s6], $0x2000  }
0x145: {  	[sflag:s6] =	ssyncset.done @!p0 $0x0  }
0x146: {  	[sflag:s6] =	ssyncadd.s32 @!p0 $0xFFFFE000  }
0x147: {  	[bflag:$0x0] =	sbarrier.arrive $0xFFFF  }
0x148: {  	s0 =	rddreg [dreg:$0x6]  }
0x149: {  	[tilespmem:s3], [sflag:$0x3] =	stream.linear.gather [hbm4b:s0+s3], $0x200, $0x38;
	[tilespmem:$0x13400] =	vst v63  }
0x14a: {  	_ =	swait.ge [sflag:s5], $0x200  }
0x14b: {  	[sflag:s5] =	ssyncset.done $0x0  }
0x14c: {  	[sflag:s5] =	ssyncadd.s32 $0xFFFFFE00  }
0x14d: {  	[tilespmem:s10], [sflag:$0x1] =	stream.indirect.gather [hbm4b:s1+s9], $0x40, s3, s9, $0xb8;
	[tilespmem:$0x13400] =	vst v63  }
0x14e: {  	s0 =	rddreg [dreg:$0x7]  }
0x14f: {  	[tilespmem:s9], [sflag:$0x3] =	stream.linear.gather [hbm4b:s0+s3], $0x200, $0x38;
	[tilespmem:$0x13400] =	vst v63  }
0x150: {  	_ =	swait.ge [sflag:s5], $0x200  }
0x151: {  	[sflag:s5] =	ssyncset.done $0x0  }
0x152: {  	[sflag:s5] =	ssyncadd.s32 $0xFFFFFE00  }
0x153: {  	[tilespmem:s11], [sflag:$0x2] =	stream.indirect.gather [hbm4b:s1+s9], $0x40, s9, s9, $0xb8;
	[tilespmem:$0x13400] =	vst v63  }
0x154: {  	_ =	swait.ge [sflag:s12], $0x8000  }
0x155: {  	[sflag:s12] =	ssyncset.done $0x0  }
0x156: {  	s0 =	rddreg [dreg:$0x8];
	[sflag:s12] =	ssyncadd.s32 $0xFFFF8000  }
0x157: {  	[hbm4b:s0+s13] =	stream.strided.scatter [tilespmem:s10], [sflag:$0x3], $0x8000, s14, s13, $0x38;
	[tilespmem:$0x13400] =	vst v63  }
0x158: {  	_ =	swait.ge [sflag:s5], $0x8000  }
0x159: {  	[sflag:s5] =	ssyncset.done $0x0  }
0x15a: {  	[sflag:s5] =	ssyncadd.s32 $0xFFFF8000  }
0x15b: {  	[spmem:s2] =	stream.indirect.scatter.add.f32 [tilespmem:s4], [sflag:$0x3], $0x10, s3, s9, $0xb8;
	[tilespmem:$0x13400] =	vst v63  }
0x15c: {  	_ =	swait.ge [sflag:s5], $0x2000  }
0x15d: {  	[sflag:s5] =	ssyncset.done $0x0  }
0x15e: {  	s0 =	rddreg [dreg:$0x9];
	[sflag:s5] =	ssyncadd.s32 $0xFFFFE000  }
0x15f: {  	[tilespmem:s3], [sflag:$0x3] =	stream.linear.gather [hbm4b:s0+s3], $0x200, $0x38;
	[tilespmem:$0x13400] =	vst v63  }
0x160: {  	_ =	swait.ge [sflag:s5], $0x200  }
0x161: {  	[sflag:s5] =	ssyncset.done $0x0  }
0x162: {  	[sflag:s5] =	ssyncadd.s32 $0xFFFFFE00  }
0x163: {  	[tilespmem:s10], [sflag:$0x1] =	stream.indirect.gather [hbm4b:s1+s9], $0x40, s3, s9, $0xb8;
	[tilespmem:$0x13400] =	vst v63  }
0x164: {  	_ =	swait.ge [sflag:s15], $0x8000  }
0x165: {  	[sflag:s15] =	ssyncset.done $0x0  }
0x166: {  	s0 =	rddreg [dreg:$0xa];
	[sflag:s15] =	ssyncadd.s32 $0xFFFF8000  }
0x167: {  	[hbm4b:s0+s13] =	stream.strided.scatter [tilespmem:s11], [sflag:$0x3], $0x8000, s14, s13, $0x38;
	[tilespmem:$0x13400] =	vst v63  }
0x168: {  	_ =	swait.ge [sflag:s5], $0x8000  }
0x169: {  	[sflag:s5] =	ssyncset.done $0x0  }
0x16a: {  	[sflag:s5] =	ssyncadd.s32 $0xFFFF8000  }
0x16b: {  	[spmem:s2] =	stream.indirect.scatter.add.f32 [tilespmem:s4], [sflag:$0x3], $0x10, s9, s9, $0xb8;
	[tilespmem:$0x13400] =	vst v63  }
0x16c: {  	_ =	swait.ge [sflag:s5], $0x2000  }
0x16d: {  	[sflag:s5] =	ssyncset.done $0x0  }
0x16e: {  	s0 =	rddreg [dreg:$0xb];
	[sflag:s5] =	ssyncadd.s32 $0xFFFFE000  }
0x16f: {  	[tilespmem:s9], [sflag:$0x3] =	stream.linear.gather [hbm4b:s0+s3], $0x200, $0x38;
	[tilespmem:$0x13400] =	vst v63  }
0x170: {  	_ =	swait.ge [sflag:s5], $0x200  }
0x171: {  	[sflag:s5] =	ssyncset.done $0x0  }
0x172: {  	[sflag:s5] =	ssyncadd.s32 $0xFFFFFE00  }
0x173: {  	[tilespmem:s11], [sflag:$0x2] =	stream.indirect.gather [hbm4b:s1+s9], $0x40, s9, s9, $0xb8;
	[tilespmem:$0x13400] =	vst v63  }
0x174: {  	_ =	swait.ge [sflag:s12], $0x8000  }
0x175: {  	[sflag:s12] =	ssyncset.done $0x0  }
0x176: {  	s0 =	rddreg [dreg:$0xc];
	[sflag:s12] =	ssyncadd.s32 $0xFFFF8000  }
0x177: {  	[hbm4b:s0+s13] =	stream.strided.scatter [tilespmem:s10], [sflag:$0x3], $0x8000, s14, s13, $0x38;
	[tilespmem:$0x13400] =	vst v63  }
0x178: {  	_ =	swait.ge [sflag:s5], $0x8000  }
0x179: {  	[sflag:s5] =	ssyncset.done $0x0  }
0x17a: {  	[sflag:s5] =	ssyncadd.s32 $0xFFFF8000  }
0x17b: {  	[spmem:s2] =	stream.indirect.scatter.add.f32 [tilespmem:s4], [sflag:$0x3], $0x10, s3, s9, $0xb8;
	[tilespmem:$0x13400] =	vst v63  }
0x17c: {  	_ =	swait.ge [sflag:s5], $0x2000  }
0x17d: {  	[sflag:s5] =	ssyncset.done $0x0  }
0x17e: {  	s0 =	rddreg [dreg:$0xd];
	[sflag:s5] =	ssyncadd.s32 $0xFFFFE000  }
0x17f: {  	[tilespmem:s3], [sflag:$0x3] =	stream.linear.gather [hbm4b:s0+s3], $0x200, $0x38;
	[tilespmem:$0x13400] =	vst v63  }
0x180: {  	_ =	swait.ge [sflag:s5], $0x200  }
0x181: {  	[sflag:s5] =	ssyncset.done $0x0  }
0x182: {  	[sflag:s5] =	ssyncadd.s32 $0xFFFFFE00  }
0x183: {  	[tilespmem:s10], [sflag:$0x1] =	stream.indirect.gather [hbm4b:s1+s9], $0x40, s3, s9, $0xb8;
	[tilespmem:$0x13400] =	vst v63  }
0x184: {  	_ =	swait.ge [sflag:s15], $0x8000  }
0x185: {  	[sflag:s15] =	ssyncset.done $0x0  }
0x186: {  	s0 =	rddreg [dreg:$0xe];
	[sflag:s15] =	ssyncadd.s32 $0xFFFF8000  }
0x187: {  	[hbm4b:s0+s13] =	stream.strided.scatter [tilespmem:s11], [sflag:$0x3], $0x8000, s14, s13, $0x38;
	[tilespmem:$0x13400] =	vst v63  }
0x188: {  	_ =	swait.ge [sflag:s5], $0x8000  }
0x189: {  	[sflag:s5] =	ssyncset.done $0x0  }
0x18a: {  	[sflag:s5] =	ssyncadd.s32 $0xFFFF8000  }
0x18b: {  	[spmem:s2] =	stream.indirect.scatter.add.f32 [tilespmem:s4], [sflag:$0x3], $0x10, s9, s9, $0xb8;
	[tilespmem:$0x13400] =	vst v63  }
0x18c: {  	_ =	swait.ge [sflag:s5], $0x2000  }
0x18d: {  	[sflag:s5] =	ssyncset.done $0x0  }
0x18e: {  	s0 =	rddreg [dreg:$0xf];
	[sflag:s5] =	ssyncadd.s32 $0xFFFFE000  }
0x18f: {  	[tilespmem:s9], [sflag:$0x3] =	stream.linear.gather [hbm4b:s0+s3], $0x200, $0x38;
	[tilespmem:$0x13400] =	vst v63  }
0x190: {  	_ =	swait.ge [sflag:s5], $0x200  }
0x191: {  	[sflag:s5] =	ssyncset.done $0x0  }
0x192: {  	[sflag:s5] =	ssyncadd.s32 $0xFFFFFE00  }
0x193: {  	[tilespmem:s11], [sflag:$0x2] =	stream.indirect.gather [hbm4b:s1+s9], $0x40, s9, s9, $0xb8;
	[tilespmem:$0x13400] =	vst v63  }
0x194: {  	_ =	swait.ge [sflag:s12], $0x8000  }
0x195: {  	[sflag:s12] =	ssyncset.done $0x0  }
0x196: {  	s0 =	rddreg [dreg:$0x10];
	[sflag:s12] =	ssyncadd.s32 $0xFFFF8000  }
0x197: {  	[hbm4b:s0+s13] =	stream.strided.scatter [tilespmem:s10], [sflag:$0x3], $0x8000, s14, s13, $0x38;
	[tilespmem:$0x13400] =	vst v63  }
0x198: {  	_ =	swait.ge [sflag:s5], $0x8000  }
0x199: {  	[sflag:s5] =	ssyncset.done $0x0  }
0x19a: {  	[sflag:s5] =	ssyncadd.s32 $0xFFFF8000  }
0x19b: {  	[spmem:s2] =	stream.indirect.scatter.add.f32 [tilespmem:s4], [sflag:$0x3], $0x10, s3, s9, $0xb8;
	[tilespmem:$0x13400] =	vst v63  }
0x19c: {  	_ =	swait.ge [sflag:s5], $0x2000  }
0x19d: {  	[sflag:s5] =	ssyncset.done $0x0  }
0x19e: {  	s0 =	rddreg [dreg:$0x11];
	[sflag:s5] =	ssyncadd.s32 $0xFFFFE000  }
0x19f: {  	[tilespmem:s3], [sflag:$0x3] =	stream.linear.gather [hbm4b:s0+s3], $0x200, $0x38;
	[tilespmem:$0x13400] =	vst v63  }
0x1a0: {  	_ =	swait.ge [sflag:s5], $0x200  }
0x1a1: {  	[sflag:s5] =	ssyncset.done $0x0  }
0x1a2: {  	[sflag:s5] =	ssyncadd.s32 $0xFFFFFE00  }
0x1a3: {  	[tilespmem:s10], [sflag:$0x1] =	stream.indirect.gather [hbm4b:s1+s9], $0x40, s3, s9, $0xb8;
	[tilespmem:$0x13400] =	vst v63  }
0x1a4: {  	_ =	swait.ge [sflag:s15], $0x8000  }
0x1a5: {  	[sflag:s15] =	ssyncset.done $0x0  }
0x1a6: {  	s0 =	rddreg [dreg:$0x12];
	[sflag:s15] =	ssyncadd.s32 $0xFFFF8000  }
0x1a7: {  	[hbm4b:s0+s13] =	stream.strided.scatter [tilespmem:s11], [sflag:$0x3], $0x8000, s14, s13, $0x38;
	[tilespmem:$0x13400] =	vst v63  }
0x1a8: {  	_ =	swait.ge [sflag:s5], $0x8000  }
0x1a9: {  	[sflag:s5] =	ssyncset.done $0x0  }
0x1aa: {  	[sflag:s5] =	ssyncadd.s32 $0xFFFF8000  }
0x1ab: {  	[spmem:s2] =	stream.indirect.scatter.add.f32 [tilespmem:s4], [sflag:$0x3], $0x10, s9, s9, $0xb8;
	[tilespmem:$0x13400] =	vst v63  }
0x1ac: {  	_ =	swait.ge [sflag:s5], $0x2000  }
0x1ad: {  	[sflag:s5] =	ssyncset.done $0x0  }
0x1ae: {  	s0 =	rddreg [dreg:$0x13];
	[sflag:s5] =	ssyncadd.s32 $0xFFFFE000  }
0x1af: {  	[tilespmem:s9], [sflag:$0x3] =	stream.linear.gather [hbm4b:s0+s3], $0x200, $0x38;
	[tilespmem:$0x13400] =	vst v63  }
0x1b0: {  	_ =	swait.ge [sflag:s5], $0x200  }
0x1b1: {  	[sflag:s5] =	ssyncset.done $0x0  }
0x1b2: {  	[sflag:s5] =	ssyncadd.s32 $0xFFFFFE00  }
0x1b3: {  	[tilespmem:s11], [sflag:$0x2] =	stream.indirect.gather [hbm4b:s1+s9], $0x40, s9, s9, $0xb8;
	[tilespmem:$0x13400] =	vst v63  }
0x1b4: {  	_ =	swait.ge [sflag:s12], $0x8000  }
0x1b5: {  	[sflag:s12] =	ssyncset.done $0x0  }
0x1b6: {  	s0 =	rddreg [dreg:$0x14];
	[sflag:s12] =	ssyncadd.s32 $0xFFFF8000  }
0x1b7: {  	[hbm4b:s0+s13] =	stream.strided.scatter [tilespmem:s10], [sflag:$0x3], $0x8000, s14, s13, $0x38;
	[tilespmem:$0x13400] =	vst v63  }
0x1b8: {  	_ =	swait.ge [sflag:s5], $0x8000  }
0x1b9: {  	[sflag:s5] =	ssyncset.done $0x0  }
0x1ba: {  	[sflag:s5] =	ssyncadd.s32 $0xFFFF8000  }
0x1bb: {  	[spmem:s2] =	stream.indirect.scatter.add.f32 [tilespmem:s4], [sflag:$0x3], $0x10, s3, s9, $0xb8;
	[tilespmem:$0x13400] =	vst v63  }
0x1bc: {  	_ =	swait.ge [sflag:s5], $0x2000  }
0x1bd: {  	[sflag:s5] =	ssyncset.done $0x0  }
0x1be: {  	s0 =	rddreg [dreg:$0x15];
	[sflag:s5] =	ssyncadd.s32 $0xFFFFE000  }
0x1bf: {  	[tilespmem:s3], [sflag:$0x3] =	stream.linear.gather [hbm4b:s0+s3], $0x200, $0x38;
	[tilespmem:$0x13400] =	vst v63  }
0x1c0: {  	_ =	swait.ge [sflag:s5], $0x200  }
0x1c1: {  	[sflag:s5] =	ssyncset.done $0x0  }
0x1c2: {  	[sflag:s5] =	ssyncadd.s32 $0xFFFFFE00  }
0x1c3: {  	[tilespmem:s10], [sflag:$0x1] =	stream.indirect.gather [hbm4b:s1+s9], $0x40, s3, s9, $0xb8;
	[tilespmem:$0x13400] =	vst v63  }
0x1c4: {  	_ =	swait.ge [sflag:s15], $0x8000  }
0x1c5: {  	[sflag:s15] =	ssyncset.done $0x0  }
0x1c6: {  	s0 =	rddreg [dreg:$0x16];
	[sflag:s15] =	ssyncadd.s32 $0xFFFF8000  }
0x1c7: {  	[hbm4b:s0+s13] =	stream.strided.scatter [tilespmem:s11], [sflag:$0x3], $0x8000, s14, s13, $0x38;
	[tilespmem:$0x13400] =	vst v63  }
0x1c8: {  	_ =	swait.ge [sflag:s5], $0x8000  }
0x1c9: {  	[sflag:s5] =	ssyncset.done $0x0  }
0x1ca: {  	[sflag:s5] =	ssyncadd.s32 $0xFFFF8000  }
0x1cb: {  	[spmem:s2] =	stream.indirect.scatter.add.f32 [tilespmem:s4], [sflag:$0x3], $0x10, s9, s9, $0xb8;
	[tilespmem:$0x13400] =	vst v63  }
0x1cc: {  	_ =	swait.ge [sflag:s5], $0x2000  }
0x1cd: {  	[sflag:s5] =	ssyncset.done $0x0  }
0x1ce: {  	s0 =	rddreg [dreg:$0x17];
	[sflag:s5] =	ssyncadd.s32 $0xFFFFE000  }
0x1cf: {  	[tilespmem:s9], [sflag:$0x3] =	stream.linear.gather [hbm4b:s0+s3], $0x200, $0x38;
	[tilespmem:$0x13400] =	vst v63  }
0x1d0: {  	_ =	swait.ge [sflag:s5], $0x200  }
0x1d1: {  	[sflag:s5] =	ssyncset.done $0x0  }
0x1d2: {  	[sflag:s5] =	ssyncadd.s32 $0xFFFFFE00  }
0x1d3: {  	[tilespmem:s11], [sflag:$0x2] =	stream.indirect.gather [hbm4b:s1+s9], $0x40, s9, s9, $0xb8;
	[tilespmem:$0x13400] =	vst v63  }
0x1d4: {  	_ =	swait.ge [sflag:s12], $0x8000  }
0x1d5: {  	[sflag:s12] =	ssyncset.done $0x0  }
0x1d6: {  	s0 =	rddreg [dreg:$0x18];
	[sflag:s12] =	ssyncadd.s32 $0xFFFF8000  }
0x1d7: {  	[hbm4b:s0+s13] =	stream.strided.scatter [tilespmem:s10], [sflag:$0x3], $0x8000, s14, s13, $0x38;
	[tilespmem:$0x13400] =	vst v63  }
0x1d8: {  	_ =	swait.ge [sflag:s5], $0x8000  }
0x1d9: {  	[sflag:s5] =	ssyncset.done $0x0  }
0x1da: {  	[sflag:s5] =	ssyncadd.s32 $0xFFFF8000  }
0x1db: {  	[spmem:s2] =	stream.indirect.scatter.add.f32 [tilespmem:s4], [sflag:$0x3], $0x10, s3, s9, $0xb8;
	[tilespmem:$0x13400] =	vst v63  }
0x1dc: {  	_ =	swait.ge [sflag:s5], $0x2000  }
0x1dd: {  	[sflag:s5] =	ssyncset.done $0x0  }
0x1de: {  	[sflag:s5] =	ssyncadd.s32 $0xFFFFE000  }
0x1df: {  	[tilespmem:s3], [sflag:$0x3] =	stream.linear.gather [hbm4b:s16+s3], $0x200, $0x38;
	[tilespmem:$0x13400] =	vst v63  }
0x1e0: {  	_ =	swait.ge [sflag:s5], $0x200  }
0x1e1: {  	[sflag:s5] =	ssyncset.done $0x0  }
0x1e2: {  	[sflag:s5] =	ssyncadd.s32 $0xFFFFFE00  }
0x1e3: {  	[tilespmem:s10], [sflag:$0x1] =	stream.indirect.gather [hbm4b:s1+s9], $0x40, s3, s9, $0xb8;
	[tilespmem:$0x13400] =	vst v63  }
0x1e4: {  	_ =	swait.ge [sflag:s15], $0x8000  }
0x1e5: {  	[sflag:s15] =	ssyncset.done $0x0  }
0x1e6: {  	[sflag:s15] =	ssyncadd.s32 $0xFFFF8000  }
0x1e7: {  	[hbm4b:s17+s13] =	stream.strided.scatter [tilespmem:s11], [sflag:$0x3], $0x8000, s14, s13, $0x38;
	[tilespmem:$0x13400] =	vst v63  }
0x1e8: {  	_ =	swait.ge [sflag:s5], $0x8000  }
0x1e9: {  	[sflag:s5] =	ssyncset.done $0x0  }
0x1ea: {  	[sflag:s5] =	ssyncadd.s32 $0xFFFF8000  }
0x1eb: {  	[spmem:s2] =	stream.indirect.scatter.add.f32 [tilespmem:s4], [sflag:$0x3], $0x10, s9, s9, $0xb8;
	[tilespmem:$0x13400] =	vst v63  }
0x1ec: {  	_ =	swait.ge [sflag:s5], $0x2000  }
0x1ed: {  	[sflag:s5] =	ssyncset.done $0x0  }
0x1ee: {  	[sflag:s5] =	ssyncadd.s32 $0xFFFFE000  }
0x1ef: {  	[tilespmem:s9], [sflag:$0x3] =	stream.linear.gather [hbm4b:s18+s3], $0x200, $0x38;
	[tilespmem:$0x13400] =	vst v63  }
0x1f0: {  	_ =	swait.ge [sflag:s5], $0x200  }
0x1f1: {  	[sflag:s5] =	ssyncset.done $0x0  }
0x1f2: {  	[sflag:s5] =	ssyncadd.s32 $0xFFFFFE00  }
0x1f3: {  	[tilespmem:s11], [sflag:$0x2] =	stream.indirect.gather [hbm4b:s1+s9], $0x40, s9, s9, $0xb8;
	[tilespmem:$0x13400] =	vst v63  }
0x1f4: {  	_ =	swait.ge [sflag:s12], $0x8000  }
0x1f5: {  	[sflag:s12] =	ssyncset.done $0x0  }
0x1f6: {  	[sflag:s12] =	ssyncadd.s32 $0xFFFF8000  }
0x1f7: {  	[hbm4b:s19+s13] =	stream.strided.scatter [tilespmem:s10], [sflag:$0x3], $0x8000, s14, s13, $0x38;
	[tilespmem:$0x13400] =	vst v63  }
0x1f8: {  	_ =	swait.ge [sflag:s5], $0x8000  }
0x1f9: {  	[sflag:s5] =	ssyncset.done $0x0  }
0x1fa: {  	[sflag:s5] =	ssyncadd.s32 $0xFFFF8000  }
0x1fb: {  	[spmem:s2] =	stream.indirect.scatter.add.f32 [tilespmem:s4], [sflag:$0x3], $0x10, s3, s9, $0xb8;
	[tilespmem:$0x13400] =	vst v63  }
0x1fc: {  	_ =	swait.ge [sflag:s5], $0x2000  }
0x1fd: {  	[sflag:s5] =	ssyncset.done $0x0  }
0x1fe: {  	[sflag:s5] =	ssyncadd.s32 $0xFFFFE000  }
0x1ff: {  	[tilespmem:s3], [sflag:$0x3] =	stream.linear.gather [hbm4b:s20+s3], $0x200, $0x38;
	[tilespmem:$0x13400] =	vst v63  }
0x200: {  	_ =	swait.ge [sflag:s5], $0x200  }
0x201: {  	[sflag:s5] =	ssyncset.done $0x0  }
0x202: {  	[sflag:s5] =	ssyncadd.s32 $0xFFFFFE00  }
0x203: {  	[tilespmem:s10], [sflag:$0x1] =	stream.indirect.gather [hbm4b:s1+s9], $0x40, s3, s9, $0xb8;
	[tilespmem:$0x13400] =	vst v63  }
0x204: {  	_ =	swait.ge [sflag:s15], $0x8000  }
0x205: {  	[sflag:s15] =	ssyncset.done $0x0  }
0x206: {  	[sflag:s15] =	ssyncadd.s32 $0xFFFF8000  }
0x207: {  	[hbm4b:s21+s13] =	stream.strided.scatter [tilespmem:s11], [sflag:$0x3], $0x8000, s14, s13, $0x38;
	[tilespmem:$0x13400] =	vst v63  }
0x208: {  	_ =	swait.ge [sflag:s5], $0x8000  }
0x209: {  	[sflag:s5] =	ssyncset.done $0x0  }
0x20a: {  	[sflag:s5] =	ssyncadd.s32 $0xFFFF8000  }
0x20b: {  	[spmem:s2] =	stream.indirect.scatter.add.f32 [tilespmem:s4], [sflag:$0x3], $0x10, s9, s9, $0xb8;
	[tilespmem:$0x13400] =	vst v63  }
0x20c: {  	_ =	swait.ge [sflag:s5], $0x2000  }
0x20d: {  	[sflag:s5] =	ssyncset.done $0x0  }
0x20e: {  	[sflag:s5] =	ssyncadd.s32 $0xFFFFE000  }
0x20f: {  	[tilespmem:s9], [sflag:$0x3] =	stream.linear.gather [hbm4b:s22+s3], $0x200, $0x38;
	[tilespmem:$0x13400] =	vst v63  }
0x210: {  	_ =	swait.ge [sflag:s5], $0x200  }
0x211: {  	[sflag:s5] =	ssyncset.done $0x0  }
0x212: {  	[sflag:s5] =	ssyncadd.s32 $0xFFFFFE00  }
0x213: {  	[tilespmem:s11], [sflag:$0x2] =	stream.indirect.gather [hbm4b:s1+s9], $0x40, s9, s9, $0xb8;
	[tilespmem:$0x13400] =	vst v63  }
0x214: {  	_ =	swait.ge [sflag:s12], $0x8000  }
0x215: {  	[sflag:s12] =	ssyncset.done $0x0  }
0x216: {  	[sflag:s12] =	ssyncadd.s32 $0xFFFF8000  }
0x217: {  	[hbm4b:s23+s13] =	stream.strided.scatter [tilespmem:s10], [sflag:$0x3], $0x8000, s14, s13, $0x38;
	[tilespmem:$0x13400] =	vst v63  }
0x218: {  	_ =	swait.ge [sflag:s5], $0x8000  }
0x219: {  	[sflag:s5] =	ssyncset.done $0x0  }
0x21a: {  	[sflag:s5] =	ssyncadd.s32 $0xFFFF8000  }
0x21b: {  	[spmem:s2] =	stream.indirect.scatter.add.f32 [tilespmem:s4], [sflag:$0x3], $0x10, s3, s9, $0xb8;
	[tilespmem:$0x13400] =	vst v63  }
0x21c: {  	_ =	swait.ge [sflag:s5], $0x2000  }
0x21d: {  	[sflag:s5] =	ssyncset.done $0x0  }
0x21e: {  	[sflag:s5] =	ssyncadd.s32 $0xFFFFE000  }
0x21f: {  	[tilespmem:s3], [sflag:$0x3] =	stream.linear.gather [hbm4b:s24+s3], $0x200, $0x38;
	[tilespmem:$0x13400] =	vst v63  }
0x220: {  	_ =	swait.ge [sflag:s5], $0x200  }
0x221: {  	[sflag:s5] =	ssyncset.done $0x0  }
0x222: {  	[sflag:s5] =	ssyncadd.s32 $0xFFFFFE00  }
0x223: {  	[tilespmem:s10], [sflag:$0x1] =	stream.indirect.gather [hbm4b:s1+s9], $0x40, s3, s9, $0xb8;
	[tilespmem:$0x13400] =	vst v63  }
0x224: {  	_ =	swait.ge [sflag:s15], $0x8000  }
0x225: {  	[sflag:s15] =	ssyncset.done $0x0  }
0x226: {  	[sflag:s15] =	ssyncadd.s32 $0xFFFF8000  }
0x227: {  	[hbm4b:s25+s13] =	stream.strided.scatter [tilespmem:s11], [sflag:$0x3], $0x8000, s14, s13, $0x38;
	[tilespmem:$0x13400] =	vst v63  }
0x228: {  	_ =	swait.ge [sflag:s5], $0x8000  }
0x229: {  	[sflag:s5] =	ssyncset.done $0x0  }
0x22a: {  	[sflag:s5] =	ssyncadd.s32 $0xFFFF8000  }
0x22b: {  	[spmem:s2] =	stream.indirect.scatter.add.f32 [tilespmem:s4], [sflag:$0x3], $0x10, s9, s9, $0xb8;
	[tilespmem:$0x13400] =	vst v63  }
0x22c: {  	_ =	swait.ge [sflag:s5], $0x2000  }
0x22d: {  	[sflag:s5] =	ssyncset.done $0x0  }
0x22e: {  	[sflag:s5] =	ssyncadd.s32 $0xFFFFE000  }
0x22f: {  	[tilespmem:s9], [sflag:$0x3] =	stream.linear.gather [hbm4b:s26+s3], $0x200, $0x38;
	[tilespmem:$0x13400] =	vst v63  }
0x230: {  	_ =	swait.ge [sflag:s5], $0x200  }
0x231: {  	[sflag:s5] =	ssyncset.done $0x0  }
0x232: {  	[sflag:s5] =	ssyncadd.s32 $0xFFFFFE00  }
0x233: {  	[tilespmem:s11], [sflag:$0x2] =	stream.indirect.gather [hbm4b:s1+s9], $0x40, s9, s9, $0xb8;
	[tilespmem:$0x13400] =	vst v63  }
0x234: {  	_ =	swait.ge [sflag:s12], $0x8000  }
0x235: {  	[sflag:s12] =	ssyncset.done $0x0  }
0x236: {  	[sflag:s12] =	ssyncadd.s32 $0xFFFF8000  }
0x237: {  	[hbm4b:s28+s13] =	stream.strided.scatter [tilespmem:s10], [sflag:$0x3], $0x8000, s14, s13, $0x38;
	[tilespmem:$0x13400] =	vst v63  }
0x238: {  	_ =	swait.ge [sflag:s5], $0x8000  }
0x239: {  	[sflag:s5] =	ssyncset.done $0x0  }
0x23a: {  	[sflag:s5] =	ssyncadd.s32 $0xFFFF8000  }
0x23b: {  	[spmem:s2] =	stream.indirect.scatter.add.f32 [tilespmem:s4], [sflag:$0x3], $0x10, s3, s9, $0xb8;
	[tilespmem:$0x13400] =	vst v63  }
0x23c: {  	_ =	swait.ge [sflag:s5], $0x2000  }
0x23d: {  	[sflag:s5] =	ssyncset.done $0x0  }
0x23e: {  	[sflag:s5] =	ssyncadd.s32 $0xFFFFE000  }
0x23f: {  	_ =	swait.ge [sflag:s15], $0x8000  }
0x240: {  	[sflag:s15] =	ssyncset.done $0x0  }
0x241: {  	[sflag:s15] =	ssyncadd.s32 $0xFFFF8000  }
0x242: {  	[hbm4b:s29+s13] =	stream.strided.scatter [tilespmem:s11], [sflag:$0x3], $0x8000, s14, s13, $0x38;
	[tilespmem:$0x13400] =	vst v63  }
0x243: {  	_ =	swait.ge [sflag:s5], $0x8000  }
0x244: {  	[sflag:s5] =	ssyncset.done $0x0  }
0x245: {  	s31 =	sadd.s32 $0xFFFFFFFF, s31;
	[sflag:s5] =	ssyncadd.s32 $0xFFFF8000  }
0x246: {  	[spmem:s2] =	stream.indirect.scatter.add.f32 [tilespmem:s4], [sflag:$0x3], $0x10, s9, s9, $0xb8;
	[tilespmem:$0x13400] =	vst v63  }
0x247: {  	p1 =	sne.s32 s31, $0x0;
	_ =	swait.ge [sflag:s5], $0x2000  }
.Ltmp1:
0x248: {  	[sflag:s5] =	ssyncset.done $0x0;
	(pc) =	sbr.rel @p1 .LBB2_1-.Ltmp1, $4  }
0x249: {  	[sflag:s5] =	ssyncadd.s32 $0xFFFFE000  }
0x24a: {  	[bflag:$0x0] =	sbarrier.arrive $0xFFFF  }
0x24b: {  	[hbm:s30], [sflag:s8] =	dma.local @!p0 [spmem:s7], $0x2000  }
0x24c: {  	_ =	swait.ge @!p0 [sflag:s6], $0x2000  }
.LBB2_2:
0x24d: {  	[sflag:s6] =	ssyncset.done @!p0 $0x0  }
0x24e: {  	[sflag:s6] =	ssyncadd.s32 @!p0 $0xFFFFE000  }
0x24f: {  	_ =	sfence.sel $0x180000  }
0x250: {  	[bflag:$0x0] =	sbarrier.arrive $0xFFFF  }
0x251: {  	_ =	strace $0x90000047  }
0x252: {  	[bflag:$0x2] =	sbarrier.arrive $0xFFFF  }
0x253: {  	s0 =	rddreg [dreg:$0x3]  }
0x254: {  	s0 =	sadd.s32 @!p0 $0x100000, s0  }
0x255: {  	[sflag:s0] =	ssyncadd.tile.s32 @!p0 $0x1;
	_ =	shalt  }
.Lfunc_end2:
_tile_overlayer_lowered:
.L_overlay_start_2:
0x256: {  	(tag) =	ssettag $0x2  }
0x257: {  	s0 =	rddreg [dreg:$0x0];
	s2 =	stileid.u32  }
0x258: {  	s1 =	rddreg [dreg:$0x1];
	p0 =	sne.s32 s2, $0x0  }
0x259: {  	s3 =	rddreg [dreg:$0x2];
	[bflag:$0x3] =	sbarrier.arrive $0xFFFF;
	s2 =	simm.s32 @!p0 $0x1C03  }
0x25a: {  	[timem:s3], [sflag:s2] =	dma.local @!p0 [hbm:s0], s1  }
0x25b: {  	s0 =	simm.s32 @!p0 $0x3  }
0x25c: {  	_ =	swait.ge @!p0 [sflag:s0], s1  }
0x25d: {  	s1 =	ssub.s32 @!p0 $0x0, s1;
	[sflag:s0] =	ssyncset.done @!p0 $0x0  }
0x25e: {  	[sflag:s0] =	ssyncadd.s32 @!p0 s1  }
0x25f: {  	[bflag:$0x3] =	sbarrier.arrive $0xFFFF  }
0x260: {  	_ =	shalt  }

</sc_bundles>
